<compile_context>
chip_gen: v7x
topology: tpu7x:2x2x1
jax: 0.10.2.dev20260603
libtpu: 0.0.44.dev20260713+nightly
codegen_flags: <defaults>
</compile_context>

<pallas_src>
import functools

import jax
import jax.numpy as jnp
from jax import lax
from jax.experimental import pallas as pl
from jax.experimental.pallas import tpu as pltpu
from jax.experimental.pallas import tpu_sc as plsc

_BB = 128
_N = 8192
_B = 4096
_ROWS_PER_W = 128


def _normalize_quantized(d):
    s = d[:, 0:1] * d[:, 0:1] + d[:, 1:2] * d[:, 1:2] + d[:, 2:3] * d[:, 2:3]
    norm = s * lax.rsqrt(s)
    rn = pl.reciprocal(norm, approx=True)
    return (d * rn).astype(jnp.bfloat16).astype(jnp.float32)


def _argmax_body(d0_ref, d1_ref, e_ref, idx0_ref, idx1_ref):
    e = e_ref[...]
    dn0 = _normalize_quantized(d0_ref[...])
    dn1 = _normalize_quantized(d1_ref[...])
    cdims = (((1,), (1,)), ((), ()))
    dist0 = lax.dot_general(e, dn0, cdims, preferred_element_type=jnp.float32)
    dist1 = lax.dot_general(e, dn1, cdims, preferred_element_type=jnp.float32)
    iota = lax.broadcasted_iota(jnp.int32, dist0.shape, 0)
    m0 = jnp.max(dist0, axis=0, keepdims=True)
    m1 = jnp.max(dist1, axis=0, keepdims=True)
    i0 = jnp.min(jnp.where(dist0 == m0, iota, _N), axis=0)
    i1 = jnp.min(jnp.where(dist1 == m1, iota, _N), axis=0)
    idx0_ref[...] = i0[None, None, :]
    idx1_ref[...] = i1[None, None, :]


def _tc_argmax(d0, d1, endpoints):
    nb = _B // _BB
    return pl.pallas_call(
        _argmax_body,
        grid=(nb,),
        in_specs=[
            pl.BlockSpec((_BB, 3), lambda i: (i, 0)),
            pl.BlockSpec((_BB, 3), lambda i: (i, 0)),
            pl.BlockSpec((_N, 3), lambda i: (0, 0)),
        ],
        out_specs=[
            pl.BlockSpec((1, 1, _BB), lambda i: (i, 0, 0)),
            pl.BlockSpec((1, 1, _BB), lambda i: (i, 0, 0)),
        ],
        out_shape=[
            jax.ShapeDtypeStruct((nb, 1, _BB), jnp.int32),
            jax.ShapeDtypeStruct((nb, 1, _BB), jnp.int32),
        ],
    )(d0, d1, endpoints)


_RPB = 2
_LAG = 8
_CHW = _RPB * 2 * _N


def _sc_fill(idx0, idx1, zrows):
    mesh = plsc.VectorSubcoreMesh(core_axis_name="c", subcore_axis_name="s")
    info = plsc.get_sparse_core_info()
    nc = info.num_cores
    ns = info.num_subcores
    total = _B * 2 * _N
    n_chunks = _ROWS_PER_W // _RPB

    @functools.partial(
        pl.kernel,
        mesh=mesh,
        out_type=jax.ShapeDtypeStruct((total,), jnp.float32),
        scratch_types=[
            pltpu.VMEM((1, _BB), jnp.int32),
            pltpu.VMEM((1, _BB), jnp.int32),
            pltpu.VMEM((_CHW,), jnp.float32),
            pltpu.VMEM((2, _BB), jnp.int32),
            pltpu.VMEM((2, _BB), jnp.float32),
            pltpu.VMEM_SHARED((ns * _CHW,), jnp.float32),
            pltpu.SemaphoreType.DMA,
            pltpu.SemaphoreType.DMA,
        ],
        compiler_params=pltpu.CompilerParams(needs_layout_passes=False),
    )
    def fill(idx0_hbm, idx1_hbm, zrows_hbm, out_hbm,
             idx0_v, idx1_v, zbuf, pos_v, ones_v, shared, sem, sem2):
        sid = lax.axis_index("s")
        w = sid * nc + lax.axis_index("c")
        pltpu.sync_copy(idx0_hbm.at[w], idx0_v)
        pltpu.sync_copy(idx1_hbm.at[w], idx1_v)
        pltpu.sync_copy(zrows_hbm, zbuf)
        myslot = shared.at[pl.ds(sid * _CHW, _CHW)]
        pltpu.sync_copy(zbuf, myslot)
        base = w * _ROWS_PER_W * 2 * _N

        def fire(i, _):
            pltpu.make_async_copy(
                myslot, out_hbm.at[pl.ds(base + i * _CHW, _CHW)], sem).start()

            @pl.when(i >= _LAG)
            def _():
                pltpu.make_async_copy(
                    myslot, out_hbm.at[pl.ds(0, _CHW)], sem).wait()

            return 0

        lax.fori_loop(0, n_chunks, fire, 0)

        def drain(i, _):
            pltpu.make_async_copy(
                myslot, out_hbm.at[pl.ds(0, _CHW)], sem).wait()
            return 0

        lax.fori_loop(0, _LAG, drain, 0)

        lanes = lax.iota(jnp.int32, 16)
        one16 = jnp.ones((16,), jnp.float32)
        for c in range(_ROWS_PER_W // 16):
            p0 = idx0_v[0, pl.ds(c * 16, 16)]
            p1 = idx1_v[0, pl.ds(c * 16, 16)]
            rowbase = (w * _ROWS_PER_W + c * 16 + lanes) * (2 * _N)
            pos_v[0, pl.ds(c * 16, 16)] = rowbase + p0
            pos_v[1, pl.ds(c * 16, 16)] = rowbase + _N + p1
            ones_v[0, pl.ds(c * 16, 16)] = one16
            ones_v[1, pl.ds(c * 16, 16)] = one16
        pltpu.make_async_copy(
            ones_v.at[0], out_hbm.at[pos_v.at[0]], sem2).start()
        pltpu.make_async_copy(
            ones_v.at[1], out_hbm.at[pos_v.at[1]], sem2).start()
        pltpu.make_async_copy(
            ones_v.at[0], out_hbm.at[pos_v.at[0]], sem2).wait()
        pltpu.make_async_copy(
            ones_v.at[1], out_hbm.at[pos_v.at[1]], sem2).wait()

    return fill(idx0, idx1, zrows)


@jax.jit
def kernel(directions, endpoints):
    b, _, k = directions.shape
    n = endpoints.shape[0]
    d0 = directions[:, :, 0]
    d1 = directions[:, :, 1]
    idx0, idx1 = _tc_argmax(d0, d1, endpoints)
    zrows = jnp.zeros((_CHW,), jnp.float32)
    out = _sc_fill(idx0, idx1, zrows)
    return out.reshape(b, k, n).transpose(0, 2, 1)

# --- scband reference (transcript-rebuilt; emitter-appended) ---
"""Pipeline reference for scband-halton2d-encoder-23459111370909 (READ-ONLY COPY).

The authoritative reference and input builder live on the scoring server;
editing this copy changes nothing except your own understanding.
"""

import jax, jax.numpy as jnp
import numpy as np


def _radical_inverse(idx, base):
    result = np.zeros(idx.shape, dtype=np.float64)
    f = 1.0 / base
    i = idx.astype(np.int64).copy()
    while np.any(i > 0):
        result += f * (i % base)
        i = i // base
        f /= base
    return result


def _halton_endpoints(n):
    # 2D halton sequence (bases 2 and 3) mapped to unit-sphere ray endpoints,
    # scaled by distances = ones(n) (HaltonUtils.get_ray_endpoints_from_halton_distances)
    idx = np.arange(1, n + 1)
    u = _radical_inverse(idx, 2)
    v = _radical_inverse(idx, 3)
    theta = 2.0 * np.pi * u
    phi = np.arccos(1.0 - 2.0 * v)
    dists = np.ones(n)
    pts = np.stack([np.sin(phi) * np.cos(theta),
                    np.sin(phi) * np.sin(theta),
                    np.cos(phi)], axis=1)
    return (dists[:, None] * pts).astype(np.float32)


def setup_inputs(seed: int = 0):
    key = jax.random.key(seed)
    n = 8192
    directions = jax.random.normal(jax.random.fold_in(key, 0), (4096, 3, 2), dtype=jnp.float32)
    endpoints = jnp.asarray(_halton_endpoints(n))
    return {"directions": directions, "endpoints": endpoints}


def reference(directions, endpoints):
    # method == 'max', k = 1 (forward_closest)
    k = 1
    dnorm = directions / jnp.linalg.norm(directions, axis=1, keepdims=True)
    # endpoint_direction_dot: einsum('nd,bdk->bnk')
    distances = jnp.einsum('nd,bdk->bnk', endpoints, dnorm)
    # torch.topk(distances, k, dim=1): move ray axis last for lax.top_k
    dt = jnp.moveaxis(distances, 1, -1)  # (b, kdirs, n)
    _, idx = jax.lax.top_k(dt, k)        # (b, kdirs, k)
    # scatter ones at topk indices along the ray axis (scatter-overwrite -> max of one-hots)
    onehot = jax.nn.one_hot(idx, distances.shape[1], dtype=jnp.float32).max(axis=2)  # (b, kdirs, n)
    rays = jnp.moveaxis(onehot, -1, 1)   # (b, n, kdirs)
    return rays

if __name__ == "__main__":
    import jax
    _d = setup_inputs()
    print(jax.jit(kernel)(*tuple(_d.values())))

</pallas_src>

<mosaic_0001>
#map = affine_map<(d0, d1) -> (0, 0, 0)>
#map1 = affine_map<(d0, d1) -> (0)>
module attributes {stable_mosaic.version = 14 : i64} {
  func.func @fill(%arg0: i32, %arg1: i32, %arg2: memref<32x1x128xi32, #tpu.memory_space<hbm>>, %arg3: memref<32x1x128xi32, #tpu.memory_space<hbm>>, %arg4: memref<32768xf32, #tpu.memory_space<hbm>>, %arg5: memref<67108864xf32, #tpu.memory_space<hbm>>, %arg6: memref<1x128xi32, #tpu.memory_space<vmem>>, %arg7: memref<1x128xi32, #tpu.memory_space<vmem>>, %arg8: memref<32768xf32, #tpu.memory_space<vmem>>, %arg9: memref<2x128xi32, #tpu.memory_space<vmem>>, %arg10: memref<2x128xf32, #tpu.memory_space<vmem>>, %arg11: memref<524288xf32, #tpu.memory_space<vmem_shared>>, %arg12: memref<!tpu.dma_semaphore, #tpu.memory_space<semaphore_mem>>, %arg13: memref<!tpu.dma_semaphore, #tpu.memory_space<semaphore_mem>>) attributes {dimension_semantics = [#tpu.dimension_semantics<core_parallel>, #tpu.dimension_semantics<subcore_parallel>], iteration_bounds = array<i64: 2, 16>, scalar_prefetch = 0 : i64, scratch_operands = 8 : i64, tpu.core_type = #tpu.core_type<sc_vector_subcore>, window_params = [{transform_indices = #map}, {transform_indices = #map}, {transform_indices = #map1}, {transform_indices = #map1}]} {
    %mul3A = arith.constant 2 : i32
    %mul3A_0 = arith.muli %arg1, %mul3A : i32
    %add3A = arith.addi %mul3A_0, %arg0 : i32
    "tpu.region"() ({
      %run_scoped3A = tpu.sem_alloc : memref<!tpu.dma_semaphore, #tpu.memory_space<semaphore_mem>>
      %dma_start3A_363 = arith.constant 0 : i32
      %dma_start3A_364 = arith.constant 0 : i32
      %dma_start3A_365 = tpu.memref_slice %arg2[%add3A, %dma_start3A_363, %dma_start3A_364] : memref<32x1x128xi32, #tpu.memory_space<hbm>> -> memref<1x1x128xi32, #tpu.memory_space<hbm>>
      %dma_start3A_366 = tpu.memref_squeeze %dma_start3A_365 : memref<1x1x128xi32, #tpu.memory_space<hbm>> -> memref<1x128xi32, #tpu.memory_space<hbm>>
      %dma_start3A_367 = arith.constant 0 : i32
      %dma_start3A_368 = arith.constant 0 : i32
      %dma_start3A_369 = tpu.memref_slice %arg2[%add3A, %dma_start3A_367, %dma_start3A_368] : memref<32x1x128xi32, #tpu.memory_space<hbm>> -> memref<1x1x128xi32, #tpu.memory_space<hbm>>
      %dma_start3A_370 = tpu.memref_squeeze %dma_start3A_369 : memref<1x1x128xi32, #tpu.memory_space<hbm>> -> memref<1x128xi32, #tpu.memory_space<hbm>>
      tpu.enqueue_dma source(%dma_start3A_370 : memref<1x128xi32, #tpu.memory_space<hbm>>) target(%arg6 : memref<1x128xi32, #tpu.memory_space<vmem>>) target_semaphore(%run_scoped3A : memref<!tpu.dma_semaphore, #tpu.memory_space<semaphore_mem>>)
      %dma_wait3A_371 = arith.constant 0 : i32
      %dma_wait3A_372 = arith.constant 0 : i32
      %dma_wait3A_373 = tpu.memref_slice %arg2[%add3A, %dma_wait3A_371, %dma_wait3A_372] : memref<32x1x128xi32, #tpu.memory_space<hbm>> -> memref<1x1x128xi32, #tpu.memory_space<hbm>>
      %dma_wait3A_374 = tpu.memref_squeeze %dma_wait3A_373 : memref<1x1x128xi32, #tpu.memory_space<hbm>> -> memref<1x128xi32, #tpu.memory_space<hbm>>
      %dma_wait3A_375 = arith.constant 0 : i32
      %dma_wait3A_376 = arith.constant 0 : i32
      %dma_wait3A_377 = tpu.memref_slice %arg2[%add3A, %dma_wait3A_375, %dma_wait3A_376] : memref<32x1x128xi32, #tpu.memory_space<hbm>> -> memref<1x1x128xi32, #tpu.memory_space<hbm>>
      %dma_wait3A_378 = tpu.memref_squeeze %dma_wait3A_377 : memref<1x1x128xi32, #tpu.memory_space<hbm>> -> memref<1x128xi32, #tpu.memory_space<hbm>>
      tpu.wait_dma2 semaphore(%run_scoped3A : memref<!tpu.dma_semaphore, #tpu.memory_space<semaphore_mem>>) src(%dma_wait3A_378 : memref<1x128xi32, #tpu.memory_space<hbm>>) dst(%arg6 : memref<1x128xi32, #tpu.memory_space<vmem>>)
      tpu.yield
    }) : () -> ()
    "tpu.region"() ({
      %run_scoped3A = tpu.sem_alloc : memref<!tpu.dma_semaphore, #tpu.memory_space<semaphore_mem>>
      %dma_start3A_363 = arith.constant 0 : i32
      %dma_start3A_364 = arith.constant 0 : i32
      %dma_start3A_365 = tpu.memref_slice %arg3[%add3A, %dma_start3A_363, %dma_start3A_364] : memref<32x1x128xi32, #tpu.memory_space<hbm>> -> memref<1x1x128xi32, #tpu.memory_space<hbm>>
      %dma_start3A_366 = tpu.memref_squeeze %dma_start3A_365 : memref<1x1x128xi32, #tpu.memory_space<hbm>> -> memref<1x128xi32, #tpu.memory_space<hbm>>
      %dma_start3A_367 = arith.constant 0 : i32
      %dma_start3A_368 = arith.constant 0 : i32
      %dma_start3A_369 = tpu.memref_slice %arg3[%add3A, %dma_start3A_367, %dma_start3A_368] : memref<32x1x128xi32, #tpu.memory_space<hbm>> -> memref<1x1x128xi32, #tpu.memory_space<hbm>>
      %dma_start3A_370 = tpu.memref_squeeze %dma_start3A_369 : memref<1x1x128xi32, #tpu.memory_space<hbm>> -> memref<1x128xi32, #tpu.memory_space<hbm>>
      tpu.enqueue_dma source(%dma_start3A_370 : memref<1x128xi32, #tpu.memory_space<hbm>>) target(%arg7 : memref<1x128xi32, #tpu.memory_space<vmem>>) target_semaphore(%run_scoped3A : memref<!tpu.dma_semaphore, #tpu.memory_space<semaphore_mem>>)
      %dma_wait3A_371 = arith.constant 0 : i32
      %dma_wait3A_372 = arith.constant 0 : i32
      %dma_wait3A_373 = tpu.memref_slice %arg3[%add3A, %dma_wait3A_371, %dma_wait3A_372] : memref<32x1x128xi32, #tpu.memory_space<hbm>> -> memref<1x1x128xi32, #tpu.memory_space<hbm>>
      %dma_wait3A_374 = tpu.memref_squeeze %dma_wait3A_373 : memref<1x1x128xi32, #tpu.memory_space<hbm>> -> memref<1x128xi32, #tpu.memory_space<hbm>>
      %dma_wait3A_375 = arith.constant 0 : i32
      %dma_wait3A_376 = arith.constant 0 : i32
      %dma_wait3A_377 = tpu.memref_slice %arg3[%add3A, %dma_wait3A_375, %dma_wait3A_376] : memref<32x1x128xi32, #tpu.memory_space<hbm>> -> memref<1x1x128xi32, #tpu.memory_space<hbm>>
      %dma_wait3A_378 = tpu.memref_squeeze %dma_wait3A_377 : memref<1x1x128xi32, #tpu.memory_space<hbm>> -> memref<1x128xi32, #tpu.memory_space<hbm>>
      tpu.wait_dma2 semaphore(%run_scoped3A : memref<!tpu.dma_semaphore, #tpu.memory_space<semaphore_mem>>) src(%dma_wait3A_378 : memref<1x128xi32, #tpu.memory_space<hbm>>) dst(%arg7 : memref<1x128xi32, #tpu.memory_space<vmem>>)
      tpu.yield
    }) : () -> ()
    "tpu.region"() ({
      %run_scoped3A = tpu.sem_alloc : memref<!tpu.dma_semaphore, #tpu.memory_space<semaphore_mem>>
      tpu.enqueue_dma source(%arg4 : memref<32768xf32, #tpu.memory_space<hbm>>) target(%arg8 : memref<32768xf32, #tpu.memory_space<vmem>>) target_semaphore(%run_scoped3A : memref<!tpu.dma_semaphore, #tpu.memory_space<semaphore_mem>>)
      tpu.wait_dma2 semaphore(%run_scoped3A : memref<!tpu.dma_semaphore, #tpu.memory_space<semaphore_mem>>) src(%arg4 : memref<32768xf32, #tpu.memory_space<hbm>>) dst(%arg8 : memref<32768xf32, #tpu.memory_space<vmem>>)
      tpu.yield
    }) : () -> ()
    %mul3A_1 = arith.constant 32768 : i32
    %mul3A_2 = arith.muli %arg1, %mul3A_1 : i32
    "tpu.region"() ({
      %run_scoped3A = tpu.sem_alloc : memref<!tpu.dma_semaphore, #tpu.memory_space<semaphore_mem>>
      %dma_start3A_363 = tpu.memref_slice %arg11[%mul3A_2] : memref<524288xf32, #tpu.memory_space<vmem_shared>> -> memref<32768xf32, #tpu.memory_space<vmem_shared>>
      %dma_start3A_364 = tpu.memref_slice %arg11[%mul3A_2] : memref<524288xf32, #tpu.memory_space<vmem_shared>> -> memref<32768xf32, #tpu.memory_space<vmem_shared>>
      tpu.enqueue_dma source(%arg8 : memref<32768xf32, #tpu.memory_space<vmem>>) target(%dma_start3A_364 : memref<32768xf32, #tpu.memory_space<vmem_shared>>) target_semaphore(%run_scoped3A : memref<!tpu.dma_semaphore, #tpu.memory_space<semaphore_mem>>)
      %dma_wait3A_365 = tpu.memref_slice %arg11[%mul3A_2] : memref<524288xf32, #tpu.memory_space<vmem_shared>> -> memref<32768xf32, #tpu.memory_space<vmem_shared>>
      %dma_wait3A_366 = tpu.memref_slice %arg11[%mul3A_2] : memref<524288xf32, #tpu.memory_space<vmem_shared>> -> memref<32768xf32, #tpu.memory_space<vmem_shared>>
      tpu.wait_dma2 semaphore(%run_scoped3A : memref<!tpu.dma_semaphore, #tpu.memory_space<semaphore_mem>>) src(%arg8 : memref<32768xf32, #tpu.memory_space<vmem>>) dst(%dma_wait3A_366 : memref<32768xf32, #tpu.memory_space<vmem_shared>>)
      tpu.yield
    }) : () -> ()
    %mul3A_3 = arith.constant 128 : i32
    %mul3A_4 = arith.muli %add3A, %mul3A_3 : i32
    %mul3A_5 = arith.constant 2 : i32
    %mul3A_6 = arith.muli %mul3A_4, %mul3A_5 : i32
    %mul3A_7 = arith.constant 8192 : i32
    %mul3A_8 = arith.muli %mul3A_6, %mul3A_7 : i32
    %scan3A = arith.constant 0 : i32
    %scan3A_9 = arith.constant 0 : i32
    %scan3A_10 = arith.constant 64 : i32
    %scan3A_11 = arith.addi %scan3A_9, %scan3A_10 : i32
    %scan3A_12 = arith.constant 1 : i32
    %scan3A_13 = scf.for %scan3A_363 = %scan3A_9 to %scan3A_11 step %scan3A_12 iter_args(%scan3A_364 = %scan3A) -> (i32)  : i32 {
      %mul3A_365 = arith.constant 32768 : i32
      %mul3A_366 = arith.muli %scan3A_363, %mul3A_365 : i32
      %add3A_367 = arith.addi %mul3A_8, %mul3A_366 : i32
      %dma_start3A_368 = tpu.memref_slice %arg5[%add3A_367] : memref<67108864xf32, #tpu.memory_space<hbm>> -> memref<32768xf32, #tpu.memory_space<hbm>>
      %dma_start3A_369 = tpu.memref_slice %arg11[%mul3A_2] : memref<524288xf32, #tpu.memory_space<vmem_shared>> -> memref<32768xf32, #tpu.memory_space<vmem_shared>>
      tpu.enqueue_dma source(%dma_start3A_369 : memref<32768xf32, #tpu.memory_space<vmem_shared>>) target(%dma_start3A_368 : memref<32768xf32, #tpu.memory_space<hbm>>) target_semaphore(%arg12 : memref<!tpu.dma_semaphore, #tpu.memory_space<semaphore_mem>>)
      %ge3A = arith.constant 8 : i32
      %ge3A_370 = arith.cmpi sge, %scan3A_363, %ge3A : i32
      %convert_element_type3A = arith.extui %ge3A_370 : i1 to i32
      %cond3A = arith.constant 0 : i32
      %cond3A_371 = arith.cmpi ne, %convert_element_type3A, %cond3A : i32
      scf.if %cond3A_371 {
        %dma_wait3A_373 = arith.constant 0 : i32
        %dma_wait3A_374 = tpu.memref_slice %arg5[%dma_wait3A_373] : memref<67108864xf32, #tpu.memory_space<hbm>> -> memref<32768xf32, #tpu.memory_space<hbm>>
        %dma_wait3A_375 = tpu.memref_slice %arg11[%mul3A_2] : memref<524288xf32, #tpu.memory_space<vmem_shared>> -> memref<32768xf32, #tpu.memory_space<vmem_shared>>
        tpu.wait_dma2 semaphore(%arg12 : memref<!tpu.dma_semaphore, #tpu.memory_space<semaphore_mem>>) src(%dma_wait3A_375 : memref<32768xf32, #tpu.memory_space<vmem_shared>>) dst(%dma_wait3A_374 : memref<32768xf32, #tpu.memory_space<hbm>>)
      } else {
      }
      %scan3A_372 = arith.constant 0 : i32
      scf.yield %scan3A_372 : i32
    }
    %scan3A_14 = arith.constant 64 : i32
    %scan3A_15 = arith.constant 0 : i32
    %scan3A_16 = arith.constant 0 : i32
    %scan3A_17 = arith.constant 8 : i32
    %scan3A_18 = arith.addi %scan3A_16, %scan3A_17 : i32
    %scan3A_19 = arith.constant 1 : i32
    %scan3A_20 = scf.for %scan3A_363 = %scan3A_16 to %scan3A_18 step %scan3A_19 iter_args(%scan3A_364 = %scan3A_15) -> (i32)  : i32 {
      %dma_wait3A_365 = arith.constant 0 : i32
      %dma_wait3A_366 = tpu.memref_slice %arg5[%dma_wait3A_365] : memref<67108864xf32, #tpu.memory_space<hbm>> -> memref<32768xf32, #tpu.memory_space<hbm>>
      %dma_wait3A_367 = tpu.memref_slice %arg11[%mul3A_2] : memref<524288xf32, #tpu.memory_space<vmem_shared>> -> memref<32768xf32, #tpu.memory_space<vmem_shared>>
      tpu.wait_dma2 semaphore(%arg12 : memref<!tpu.dma_semaphore, #tpu.memory_space<semaphore_mem>>) src(%dma_wait3A_367 : memref<32768xf32, #tpu.memory_space<vmem_shared>>) dst(%dma_wait3A_366 : memref<32768xf32, #tpu.memory_space<hbm>>)
      %scan3A_368 = arith.constant 0 : i32
      scf.yield %scan3A_368 : i32
    }
    %scan3A_21 = arith.constant 8 : i32
    %iota3A = tpu.iota {dimensions = array<i32: 0>} : vector<16xi32>
    %broadcast_in_dim3A = arith.constant 1.000000e+00 : f32
    %broadcast_in_dim3A_22 = vector.broadcast %broadcast_in_dim3A : f32 to vector<16xf32>
    %get3A = arith.constant 0 : i32
    %get3A_23 = arith.index_cast %get3A : i32 to index
    %get3A_24 = arith.constant 0 : index
    %get3A_25 = tpu.vector_load %arg6[%get3A_23, %get3A_24] {strides = array<i32>} : memref<1x128xi32, #tpu.memory_space<vmem>>, vector<16xi32>,
    %get3A_26 = arith.constant 0 : i32
    %get3A_27 = arith.index_cast %get3A_26 : i32 to index
    %get3A_28 = arith.constant 0 : index
    %get3A_29 = tpu.vector_load %arg7[%get3A_27, %get3A_28] {strides = array<i32>} : memref<1x128xi32, #tpu.memory_space<vmem>>, vector<16xi32>,
    %mul3A_30 = arith.constant 128 : i32
    %mul3A_31 = arith.muli %add3A, %mul3A_30 : i32
    %add3A_32 = arith.constant 0 : i32
    %add3A_33 = arith.addi %mul3A_31, %add3A_32 : i32
    %add3A_34 = vector.broadcast %add3A_33 : i32 to vector<16xi32>
    %add3A_35 = arith.addi %add3A_34, %iota3A : vector<16xi32>
    %mul3A_36 = arith.constant 16384 : i32
    %mul3A_37 = vector.broadcast %mul3A_36 : i32 to vector<16xi32>
    %mul3A_38 = arith.muli %add3A_35, %mul3A_37 : vector<16xi32>
    %add3A_39 = arith.addi %mul3A_38, %get3A_25 : vector<16xi32>
    %swap3A = arith.constant 0 : i32
    %swap3A_40 = arith.index_cast %swap3A : i32 to index
    %swap3A_41 = arith.constant 0 : index
    %swap3A_42 = tpu.vector_load %arg9[%swap3A_40, %swap3A_41] {strides = array<i32>} : memref<2x128xi32, #tpu.memory_space<vmem>>, vector<16xi32>,
    tpu.vector_store %arg9[%swap3A_40, %swap3A_41], %add3A_39 {strides = array<i32>} : memref<2x128xi32, #tpu.memory_space<vmem>>, vector<16xi32>,
    %add3A_43 = arith.constant 8192 : i32
    %add3A_44 = vector.broadcast %add3A_43 : i32 to vector<16xi32>
    %add3A_45 = arith.addi %mul3A_38, %add3A_44 : vector<16xi32>
    %add3A_46 = arith.addi %add3A_45, %get3A_29 : vector<16xi32>
    %swap3A_47 = arith.constant 1 : i32
    %swap3A_48 = arith.index_cast %swap3A_47 : i32 to index
    %swap3A_49 = arith.constant 0 : index
    %swap3A_50 = tpu.vector_load %arg9[%swap3A_48, %swap3A_49] {strides = array<i32>} : memref<2x128xi32, #tpu.memory_space<vmem>>, vector<16xi32>,
    tpu.vector_store %arg9[%swap3A_48, %swap3A_49], %add3A_46 {strides = array<i32>} : memref<2x128xi32, #tpu.memory_space<vmem>>, vector<16xi32>,
    %swap3A_51 = arith.constant 0 : i32
    %swap3A_52 = arith.index_cast %swap3A_51 : i32 to index
    %swap3A_53 = arith.constant 0 : index
    %swap3A_54 = tpu.vector_load %arg10[%swap3A_52, %swap3A_53] {strides = array<i32>} : memref<2x128xf32, #tpu.memory_space<vmem>>, vector<16xf32>,
    tpu.vector_store %arg10[%swap3A_52, %swap3A_53], %broadcast_in_dim3A_22 {strides = array<i32>} : memref<2x128xf32, #tpu.memory_space<vmem>>, vector<16xf32>,
    %swap3A_55 = arith.constant 1 : i32
    %swap3A_56 = arith.index_cast %swap3A_55 : i32 to index
    %swap3A_57 = arith.constant 0 : index
    %swap3A_58 = tpu.vector_load %arg10[%swap3A_56, %swap3A_57] {strides = array<i32>} : memref<2x128xf32, #tpu.memory_space<vmem>>, vector<16xf32>,
    tpu.vector_store %arg10[%swap3A_56, %swap3A_57], %broadcast_in_dim3A_22 {strides = array<i32>} : memref<2x128xf32, #tpu.memory_space<vmem>>, vector<16xf32>,
    %get3A_59 = arith.constant 0 : i32
    %get3A_60 = arith.index_cast %get3A_59 : i32 to index
    %get3A_61 = arith.constant 16 : index
    %get3A_62 = tpu.vector_load %arg6[%get3A_60, %get3A_61] {strides = array<i32>} : memref<1x128xi32, #tpu.memory_space<vmem>>, vector<16xi32>,
    %get3A_63 = arith.constant 0 : i32
    %get3A_64 = arith.index_cast %get3A_63 : i32 to index
    %get3A_65 = arith.constant 16 : index
    %get3A_66 = tpu.vector_load %arg7[%get3A_64, %get3A_65] {strides = array<i32>} : memref<1x128xi32, #tpu.memory_space<vmem>>, vector<16xi32>,
    %mul3A_67 = arith.constant 128 : i32
    %mul3A_68 = arith.muli %add3A, %mul3A_67 : i32
    %add3A_69 = arith.constant 16 : i32
    %add3A_70 = arith.addi %mul3A_68, %add3A_69 : i32
    %add3A_71 = vector.broadcast %add3A_70 : i32 to vector<16xi32>
    %add3A_72 = arith.addi %add3A_71, %iota3A : vector<16xi32>
    %mul3A_73 = arith.constant 16384 : i32
    %mul3A_74 = vector.broadcast %mul3A_73 : i32 to vector<16xi32>
    %mul3A_75 = arith.muli %add3A_72, %mul3A_74 : vector<16xi32>
    %add3A_76 = arith.addi %mul3A_75, %get3A_62 : vector<16xi32>
    %swap3A_77 = arith.constant 0 : i32
    %swap3A_78 = arith.index_cast %swap3A_77 : i32 to index
    %swap3A_79 = arith.constant 16 : index
    %swap3A_80 = tpu.vector_load %arg9[%swap3A_78, %swap3A_79] {strides = array<i32>} : memref<2x128xi32, #tpu.memory_space<vmem>>, vector<16xi32>,
    tpu.vector_store %arg9[%swap3A_78, %swap3A_79], %add3A_76 {strides = array<i32>} : memref<2x128xi32, #tpu.memory_space<vmem>>, vector<16xi32>,
    %add3A_81 = arith.constant 8192 : i32
    %add3A_82 = vector.broadcast %add3A_81 : i32 to vector<16xi32>
    %add3A_83 = arith.addi %mul3A_75, %add3A_82 : vector<16xi32>
    %add3A_84 = arith.addi %add3A_83, %get3A_66 : vector<16xi32>
    %swap3A_85 = arith.constant 1 : i32
    %swap3A_86 = arith.index_cast %swap3A_85 : i32 to index
    %swap3A_87 = arith.constant 16 : index
    %swap3A_88 = tpu.vector_load %arg9[%swap3A_86, %swap3A_87] {strides = array<i32>} : memref<2x128xi32, #tpu.memory_space<vmem>>, vector<16xi32>,
    tpu.vector_store %arg9[%swap3A_86, %swap3A_87], %add3A_84 {strides = array<i32>} : memref<2x128xi32, #tpu.memory_space<vmem>>, vector<16xi32>,
    %swap3A_89 = arith.constant 0 : i32
    %swap3A_90 = arith.index_cast %swap3A_89 : i32 to index
    %swap3A_91 = arith.constant 16 : index
    %swap3A_92 = tpu.vector_load %arg10[%swap3A_90, %swap3A_91] {strides = array<i32>} : memref<2x128xf32, #tpu.memory_space<vmem>>, vector<16xf32>,
    tpu.vector_store %arg10[%swap3A_90, %swap3A_91], %broadcast_in_dim3A_22 {strides = array<i32>} : memref<2x128xf32, #tpu.memory_space<vmem>>, vector<16xf32>,
    %swap3A_93 = arith.constant 1 : i32
    %swap3A_94 = arith.index_cast %swap3A_93 : i32 to index
    %swap3A_95 = arith.constant 16 : index
    %swap3A_96 = tpu.vector_load %arg10[%swap3A_94, %swap3A_95] {strides = array<i32>} : memref<2x128xf32, #tpu.memory_space<vmem>>, vector<16xf32>,
    tpu.vector_store %arg10[%swap3A_94, %swap3A_95], %broadcast_in_dim3A_22 {strides = array<i32>} : memref<2x128xf32, #tpu.memory_space<vmem>>, vector<16xf32>,
    %get3A_97 = arith.constant 0 : i32
    %get3A_98 = arith.index_cast %get3A_97 : i32 to index
    %get3A_99 = arith.constant 32 : index
    %get3A_100 = tpu.vector_load %arg6[%get3A_98, %get3A_99] {strides = array<i32>} : memref<1x128xi32, #tpu.memory_space<vmem>>, vector<16xi32>,
    %get3A_101 = arith.constant 0 : i32
    %get3A_102 = arith.index_cast %get3A_101 : i32 to index
    %get3A_103 = arith.constant 32 : index
    %get3A_104 = tpu.vector_load %arg7[%get3A_102, %get3A_103] {strides = array<i32>} : memref<1x128xi32, #tpu.memory_space<vmem>>, vector<16xi32>,
    %mul3A_105 = arith.constant 128 : i32
    %mul3A_106 = arith.muli %add3A, %mul3A_105 : i32
    %add3A_107 = arith.constant 32 : i32
    %add3A_108 = arith.addi %mul3A_106, %add3A_107 : i32
    %add3A_109 = vector.broadcast %add3A_108 : i32 to vector<16xi32>
    %add3A_110 = arith.addi %add3A_109, %iota3A : vector<16xi32>
    %mul3A_111 = arith.constant 16384 : i32
    %mul3A_112 = vector.broadcast %mul3A_111 : i32 to vector<16xi32>
    %mul3A_113 = arith.muli %add3A_110, %mul3A_112 : vector<16xi32>
    %add3A_114 = arith.addi %mul3A_113, %get3A_100 : vector<16xi32>
    %swap3A_115 = arith.constant 0 : i32
    %swap3A_116 = arith.index_cast %swap3A_115 : i32 to index
    %swap3A_117 = arith.constant 32 : index
    %swap3A_118 = tpu.vector_load %arg9[%swap3A_116, %swap3A_117] {strides = array<i32>} : memref<2x128xi32, #tpu.memory_space<vmem>>, vector<16xi32>,
    tpu.vector_store %arg9[%swap3A_116, %swap3A_117], %add3A_114 {strides = array<i32>} : memref<2x128xi32, #tpu.memory_space<vmem>>, vector<16xi32>,
    %add3A_119 = arith.constant 8192 : i32
    %add3A_120 = vector.broadcast %add3A_119 : i32 to vector<16xi32>
    %add3A_121 = arith.addi %mul3A_113, %add3A_120 : vector<16xi32>
    %add3A_122 = arith.addi %add3A_121, %get3A_104 : vector<16xi32>
    %swap3A_123 = arith.constant 1 : i32
    %swap3A_124 = arith.index_cast %swap3A_123 : i32 to index
    %swap3A_125 = arith.constant 32 : index
    %swap3A_126 = tpu.vector_load %arg9[%swap3A_124, %swap3A_125] {strides = array<i32>} : memref<2x128xi32, #tpu.memory_space<vmem>>, vector<16xi32>,
    tpu.vector_store %arg9[%swap3A_124, %swap3A_125], %add3A_122 {strides = array<i32>} : memref<2x128xi32, #tpu.memory_space<vmem>>, vector<16xi32>,
    %swap3A_127 = arith.constant 0 : i32
    %swap3A_128 = arith.index_cast %swap3A_127 : i32 to index
    %swap3A_129 = arith.constant 32 : index
    %swap3A_130 = tpu.vector_load %arg10[%swap3A_128, %swap3A_129] {strides = array<i32>} : memref<2x128xf32, #tpu.memory_space<vmem>>, vector<16xf32>,
    tpu.vector_store %arg10[%swap3A_128, %swap3A_129], %broadcast_in_dim3A_22 {strides = array<i32>} : memref<2x128xf32, #tpu.memory_space<vmem>>, vector<16xf32>,
    %swap3A_131 = arith.constant 1 : i32
    %swap3A_132 = arith.index_cast %swap3A_131 : i32 to index
    %swap3A_133 = arith.constant 32 : index
    %swap3A_134 = tpu.vector_load %arg10[%swap3A_132, %swap3A_133] {strides = array<i32>} : memref<2x128xf32, #tpu.memory_space<vmem>>, vector<16xf32>,
    tpu.vector_store %arg10[%swap3A_132, %swap3A_133], %broadcast_in_dim3A_22 {strides = array<i32>} : memref<2x128xf32, #tpu.memory_space<vmem>>, vector<16xf32>,
    %get3A_135 = arith.constant 0 : i32
    %get3A_136 = arith.index_cast %get3A_135 : i32 to index
    %get3A_137 = arith.constant 48 : index
    %get3A_138 = tpu.vector_load %arg6[%get3A_136, %get3A_137] {strides = array<i32>} : memref<1x128xi32, #tpu.memory_space<vmem>>, vector<16xi32>,
    %get3A_139 = arith.constant 0 : i32
    %get3A_140 = arith.index_cast %get3A_139 : i32 to index
    %get3A_141 = arith.constant 48 : index
    %get3A_142 = tpu.vector_load %arg7[%get3A_140, %get3A_141] {strides = array<i32>} : memref<1x128xi32, #tpu.memory_space<vmem>>, vector<16xi32>,
    %mul3A_143 = arith.constant 128 : i32
    %mul3A_144 = arith.muli %add3A, %mul3A_143 : i32
    %add3A_145 = arith.constant 48 : i32
    %add3A_146 = arith.addi %mul3A_144, %add3A_145 : i32
    %add3A_147 = vector.broadcast %add3A_146 : i32 to vector<16xi32>
    %add3A_148 = arith.addi %add3A_147, %iota3A : vector<16xi32>
    %mul3A_149 = arith.constant 16384 : i32
    %mul3A_150 = vector.broadcast %mul3A_149 : i32 to vector<16xi32>
    %mul3A_151 = arith.muli %add3A_148, %mul3A_150 : vector<16xi32>
    %add3A_152 = arith.addi %mul3A_151, %get3A_138 : vector<16xi32>
    %swap3A_153 = arith.constant 0 : i32
    %swap3A_154 = arith.index_cast %swap3A_153 : i32 to index
    %swap3A_155 = arith.constant 48 : index
    %swap3A_156 = tpu.vector_load %arg9[%swap3A_154, %swap3A_155] {strides = array<i32>} : memref<2x128xi32, #tpu.memory_space<vmem>>, vector<16xi32>,
    tpu.vector_store %arg9[%swap3A_154, %swap3A_155], %add3A_152 {strides = array<i32>} : memref<2x128xi32, #tpu.memory_space<vmem>>, vector<16xi32>,
    %add3A_157 = arith.constant 8192 : i32
    %add3A_158 = vector.broadcast %add3A_157 : i32 to vector<16xi32>
    %add3A_159 = arith.addi %mul3A_151, %add3A_158 : vector<16xi32>
    %add3A_160 = arith.addi %add3A_159, %get3A_142 : vector<16xi32>
    %swap3A_161 = arith.constant 1 : i32
    %swap3A_162 = arith.index_cast %swap3A_161 : i32 to index
    %swap3A_163 = arith.constant 48 : index
    %swap3A_164 = tpu.vector_load %arg9[%swap3A_162, %swap3A_163] {strides = array<i32>} : memref<2x128xi32, #tpu.memory_space<vmem>>, vector<16xi32>,
    tpu.vector_store %arg9[%swap3A_162, %swap3A_163], %add3A_160 {strides = array<i32>} : memref<2x128xi32, #tpu.memory_space<vmem>>, vector<16xi32>,
    %swap3A_165 = arith.constant 0 : i32
    %swap3A_166 = arith.index_cast %swap3A_165 : i32 to index
    %swap3A_167 = arith.constant 48 : index
    %swap3A_168 = tpu.vector_load %arg10[%swap3A_166, %swap3A_167] {strides = array<i32>} : memref<2x128xf32, #tpu.memory_space<vmem>>, vector<16xf32>,
    tpu.vector_store %arg10[%swap3A_166, %swap3A_167], %broadcast_in_dim3A_22 {strides = array<i32>} : memref<2x128xf32, #tpu.memory_space<vmem>>, vector<16xf32>,
    %swap3A_169 = arith.constant 1 : i32
    %swap3A_170 = arith.index_cast %swap3A_169 : i32 to index
    %swap3A_171 = arith.constant 48 : index
    %swap3A_172 = tpu.vector_load %arg10[%swap3A_170, %swap3A_171] {strides = array<i32>} : memref<2x128xf32, #tpu.memory_space<vmem>>, vector<16xf32>,
    tpu.vector_store %arg10[%swap3A_170, %swap3A_171], %broadcast_in_dim3A_22 {strides = array<i32>} : memref<2x128xf32, #tpu.memory_space<vmem>>, vector<16xf32>,
    %get3A_173 = arith.constant 0 : i32
    %get3A_174 = arith.index_cast %get3A_173 : i32 to index
    %get3A_175 = arith.constant 64 : index
    %get3A_176 = tpu.vector_load %arg6[%get3A_174, %get3A_175] {strides = array<i32>} : memref<1x128xi32, #tpu.memory_space<vmem>>, vector<16xi32>,
    %get3A_177 = arith.constant 0 : i32
    %get3A_178 = arith.index_cast %get3A_177 : i32 to index
    %get3A_179 = arith.constant 64 : index
    %get3A_180 = tpu.vector_load %arg7[%get3A_178, %get3A_179] {strides = array<i32>} : memref<1x128xi32, #tpu.memory_space<vmem>>, vector<16xi32>,
    %mul3A_181 = arith.constant 128 : i32
    %mul3A_182 = arith.muli %add3A, %mul3A_181 : i32
    %add3A_183 = arith.constant 64 : i32
    %add3A_184 = arith.addi %mul3A_182, %add3A_183 : i32
    %add3A_185 = vector.broadcast %add3A_184 : i32 to vector<16xi32>
    %add3A_186 = arith.addi %add3A_185, %iota3A : vector<16xi32>
    %mul3A_187 = arith.constant 16384 : i32
    %mul3A_188 = vector.broadcast %mul3A_187 : i32 to vector<16xi32>
    %mul3A_189 = arith.muli %add3A_186, %mul3A_188 : vector<16xi32>
    %add3A_190 = arith.addi %mul3A_189, %get3A_176 : vector<16xi32>
    %swap3A_191 = arith.constant 0 : i32
    %swap3A_192 = arith.index_cast %swap3A_191 : i32 to index
    %swap3A_193 = arith.constant 64 : index
    %swap3A_194 = tpu.vector_load %arg9[%swap3A_192, %swap3A_193] {strides = array<i32>} : memref<2x128xi32, #tpu.memory_space<vmem>>, vector<16xi32>,
    tpu.vector_store %arg9[%swap3A_192, %swap3A_193], %add3A_190 {strides = array<i32>} : memref<2x128xi32, #tpu.memory_space<vmem>>, vector<16xi32>,
    %add3A_195 = arith.constant 8192 : i32
    %add3A_196 = vector.broadcast %add3A_195 : i32 to vector<16xi32>
    %add3A_197 = arith.addi %mul3A_189, %add3A_196 : vector<16xi32>
    %add3A_198 = arith.addi %add3A_197, %get3A_180 : vector<16xi32>
    %swap3A_199 = arith.constant 1 : i32
    %swap3A_200 = arith.index_cast %swap3A_199 : i32 to index
    %swap3A_201 = arith.constant 64 : index
    %swap3A_202 = tpu.vector_load %arg9[%swap3A_200, %swap3A_201] {strides = array<i32>} : memref<2x128xi32, #tpu.memory_space<vmem>>, vector<16xi32>,
    tpu.vector_store %arg9[%swap3A_200, %swap3A_201], %add3A_198 {strides = array<i32>} : memref<2x128xi32, #tpu.memory_space<vmem>>, vector<16xi32>,
    %swap3A_203 = arith.constant 0 : i32
    %swap3A_204 = arith.index_cast %swap3A_203 : i32 to index
    %swap3A_205 = arith.constant 64 : index
    %swap3A_206 = tpu.vector_load %arg10[%swap3A_204, %swap3A_205] {strides = array<i32>} : memref<2x128xf32, #tpu.memory_space<vmem>>, vector<16xf32>,
    tpu.vector_store %arg10[%swap3A_204, %swap3A_205], %broadcast_in_dim3A_22 {strides = array<i32>} : memref<2x128xf32, #tpu.memory_space<vmem>>, vector<16xf32>,
    %swap3A_207 = arith.constant 1 : i32
    %swap3A_208 = arith.index_cast %swap3A_207 : i32 to index
    %swap3A_209 = arith.constant 64 : index
    %swap3A_210 = tpu.vector_load %arg10[%swap3A_208, %swap3A_209] {strides = array<i32>} : memref<2x128xf32, #tpu.memory_space<vmem>>, vector<16xf32>,
    tpu.vector_store %arg10[%swap3A_208, %swap3A_209], %broadcast_in_dim3A_22 {strides = array<i32>} : memref<2x128xf32, #tpu.memory_space<vmem>>, vector<16xf32>,
    %get3A_211 = arith.constant 0 : i32
    %get3A_212 = arith.index_cast %get3A_211 : i32 to index
    %get3A_213 = arith.constant 80 : index
    %get3A_214 = tpu.vector_load %arg6[%get3A_212, %get3A_213] {strides = array<i32>} : memref<1x128xi32, #tpu.memory_space<vmem>>, vector<16xi32>,
    %get3A_215 = arith.constant 0 : i32
    %get3A_216 = arith.index_cast %get3A_215 : i32 to index
    %get3A_217 = arith.constant 80 : index
    %get3A_218 = tpu.vector_load %arg7[%get3A_216, %get3A_217] {strides = array<i32>} : memref<1x128xi32, #tpu.memory_space<vmem>>, vector<16xi32>,
    %mul3A_219 = arith.constant 128 : i32
    %mul3A_220 = arith.muli %add3A, %mul3A_219 : i32
    %add3A_221 = arith.constant 80 : i32
    %add3A_222 = arith.addi %mul3A_220, %add3A_221 : i32
    %add3A_223 = vector.broadcast %add3A_222 : i32 to vector<16xi32>
    %add3A_224 = arith.addi %add3A_223, %iota3A : vector<16xi32>
    %mul3A_225 = arith.constant 16384 : i32
    %mul3A_226 = vector.broadcast %mul3A_225 : i32 to vector<16xi32>
    %mul3A_227 = arith.muli %add3A_224, %mul3A_226 : vector<16xi32>
    %add3A_228 = arith.addi %mul3A_227, %get3A_214 : vector<16xi32>
    %swap3A_229 = arith.constant 0 : i32
    %swap3A_230 = arith.index_cast %swap3A_229 : i32 to index
    %swap3A_231 = arith.constant 80 : index
    %swap3A_232 = tpu.vector_load %arg9[%swap3A_230, %swap3A_231] {strides = array<i32>} : memref<2x128xi32, #tpu.memory_space<vmem>>, vector<16xi32>,
    tpu.vector_store %arg9[%swap3A_230, %swap3A_231], %add3A_228 {strides = array<i32>} : memref<2x128xi32, #tpu.memory_space<vmem>>, vector<16xi32>,
    %add3A_233 = arith.constant 8192 : i32
    %add3A_234 = vector.broadcast %add3A_233 : i32 to vector<16xi32>
    %add3A_235 = arith.addi %mul3A_227, %add3A_234 : vector<16xi32>
    %add3A_236 = arith.addi %add3A_235, %get3A_218 : vector<16xi32>
    %swap3A_237 = arith.constant 1 : i32
    %swap3A_238 = arith.index_cast %swap3A_237 : i32 to index
    %swap3A_239 = arith.constant 80 : index
    %swap3A_240 = tpu.vector_load %arg9[%swap3A_238, %swap3A_239] {strides = array<i32>} : memref<2x128xi32, #tpu.memory_space<vmem>>, vector<16xi32>,
    tpu.vector_store %arg9[%swap3A_238, %swap3A_239], %add3A_236 {strides = array<i32>} : memref<2x128xi32, #tpu.memory_space<vmem>>, vector<16xi32>,
    %swap3A_241 = arith.constant 0 : i32
    %swap3A_242 = arith.index_cast %swap3A_241 : i32 to index
    %swap3A_243 = arith.constant 80 : index
    %swap3A_244 = tpu.vector_load %arg10[%swap3A_242, %swap3A_243] {strides = array<i32>} : memref<2x128xf32, #tpu.memory_space<vmem>>, vector<16xf32>,
    tpu.vector_store %arg10[%swap3A_242, %swap3A_243], %broadcast_in_dim3A_22 {strides = array<i32>} : memref<2x128xf32, #tpu.memory_space<vmem>>, vector<16xf32>,
    %swap3A_245 = arith.constant 1 : i32
    %swap3A_246 = arith.index_cast %swap3A_245 : i32 to index
    %swap3A_247 = arith.constant 80 : index
    %swap3A_248 = tpu.vector_load %arg10[%swap3A_246, %swap3A_247] {strides = array<i32>} : memref<2x128xf32, #tpu.memory_space<vmem>>, vector<16xf32>,
    tpu.vector_store %arg10[%swap3A_246, %swap3A_247], %broadcast_in_dim3A_22 {strides = array<i32>} : memref<2x128xf32, #tpu.memory_space<vmem>>, vector<16xf32>,
    %get3A_249 = arith.constant 0 : i32
    %get3A_250 = arith.index_cast %get3A_249 : i32 to index
    %get3A_251 = arith.constant 96 : index
    %get3A_252 = tpu.vector_load %arg6[%get3A_250, %get3A_251] {strides = array<i32>} : memref<1x128xi32, #tpu.memory_space<vmem>>, vector<16xi32>,
    %get3A_253 = arith.constant 0 : i32
    %get3A_254 = arith.index_cast %get3A_253 : i32 to index
    %get3A_255 = arith.constant 96 : index
    %get3A_256 = tpu.vector_load %arg7[%get3A_254, %get3A_255] {strides = array<i32>} : memref<1x128xi32, #tpu.memory_space<vmem>>, vector<16xi32>,
    %mul3A_257 = arith.constant 128 : i32
    %mul3A_258 = arith.muli %add3A, %mul3A_257 : i32
    %add3A_259 = arith.constant 96 : i32
    %add3A_260 = arith.addi %mul3A_258, %add3A_259 : i32
    %add3A_261 = vector.broadcast %add3A_260 : i32 to vector<16xi32>
    %add3A_262 = arith.addi %add3A_261, %iota3A : vector<16xi32>
    %mul3A_263 = arith.constant 16384 : i32
    %mul3A_264 = vector.broadcast %mul3A_263 : i32 to vector<16xi32>
    %mul3A_265 = arith.muli %add3A_262, %mul3A_264 : vector<16xi32>
    %add3A_266 = arith.addi %mul3A_265, %get3A_252 : vector<16xi32>
    %swap3A_267 = arith.constant 0 : i32
    %swap3A_268 = arith.index_cast %swap3A_267 : i32 to index
    %swap3A_269 = arith.constant 96 : index
    %swap3A_270 = tpu.vector_load %arg9[%swap3A_268, %swap3A_269] {strides = array<i32>} : memref<2x128xi32, #tpu.memory_space<vmem>>, vector<16xi32>,
    tpu.vector_store %arg9[%swap3A_268, %swap3A_269], %add3A_266 {strides = array<i32>} : memref<2x128xi32, #tpu.memory_space<vmem>>, vector<16xi32>,
    %add3A_271 = arith.constant 8192 : i32
    %add3A_272 = vector.broadcast %add3A_271 : i32 to vector<16xi32>
    %add3A_273 = arith.addi %mul3A_265, %add3A_272 : vector<16xi32>
    %add3A_274 = arith.addi %add3A_273, %get3A_256 : vector<16xi32>
    %swap3A_275 = arith.constant 1 : i32
    %swap3A_276 = arith.index_cast %swap3A_275 : i32 to index
    %swap3A_277 = arith.constant 96 : index
    %swap3A_278 = tpu.vector_load %arg9[%swap3A_276, %swap3A_277] {strides = array<i32>} : memref<2x128xi32, #tpu.memory_space<vmem>>, vector<16xi32>,
    tpu.vector_store %arg9[%swap3A_276, %swap3A_277], %add3A_274 {strides = array<i32>} : memref<2x128xi32, #tpu.memory_space<vmem>>, vector<16xi32>,
    %swap3A_279 = arith.constant 0 : i32
    %swap3A_280 = arith.index_cast %swap3A_279 : i32 to index
    %swap3A_281 = arith.constant 96 : index
    %swap3A_282 = tpu.vector_load %arg10[%swap3A_280, %swap3A_281] {strides = array<i32>} : memref<2x128xf32, #tpu.memory_space<vmem>>, vector<16xf32>,
    tpu.vector_store %arg10[%swap3A_280, %swap3A_281], %broadcast_in_dim3A_22 {strides = array<i32>} : memref<2x128xf32, #tpu.memory_space<vmem>>, vector<16xf32>,
    %swap3A_283 = arith.constant 1 : i32
    %swap3A_284 = arith.index_cast %swap3A_283 : i32 to index
    %swap3A_285 = arith.constant 96 : index
    %swap3A_286 = tpu.vector_load %arg10[%swap3A_284, %swap3A_285] {strides = array<i32>} : memref<2x128xf32, #tpu.memory_space<vmem>>, vector<16xf32>,
    tpu.vector_store %arg10[%swap3A_284, %swap3A_285], %broadcast_in_dim3A_22 {strides = array<i32>} : memref<2x128xf32, #tpu.memory_space<vmem>>, vector<16xf32>,
    %get3A_287 = arith.constant 0 : i32
    %get3A_288 = arith.index_cast %get3A_287 : i32 to index
    %get3A_289 = arith.constant 112 : index
    %get3A_290 = tpu.vector_load %arg6[%get3A_288, %get3A_289] {strides = array<i32>} : memref<1x128xi32, #tpu.memory_space<vmem>>, vector<16xi32>,
    %get3A_291 = arith.constant 0 : i32
    %get3A_292 = arith.index_cast %get3A_291 : i32 to index
    %get3A_293 = arith.constant 112 : index
    %get3A_294 = tpu.vector_load %arg7[%get3A_292, %get3A_293] {strides = array<i32>} : memref<1x128xi32, #tpu.memory_space<vmem>>, vector<16xi32>,
    %mul3A_295 = arith.constant 128 : i32
    %mul3A_296 = arith.muli %add3A, %mul3A_295 : i32
    %add3A_297 = arith.constant 112 : i32
    %add3A_298 = arith.addi %mul3A_296, %add3A_297 : i32
    %add3A_299 = vector.broadcast %add3A_298 : i32 to vector<16xi32>
    %add3A_300 = arith.addi %add3A_299, %iota3A : vector<16xi32>
    %mul3A_301 = arith.constant 16384 : i32
    %mul3A_302 = vector.broadcast %mul3A_301 : i32 to vector<16xi32>
    %mul3A_303 = arith.muli %add3A_300, %mul3A_302 : vector<16xi32>
    %add3A_304 = arith.addi %mul3A_303, %get3A_290 : vector<16xi32>
    %swap3A_305 = arith.constant 0 : i32
    %swap3A_306 = arith.index_cast %swap3A_305 : i32 to index
    %swap3A_307 = arith.constant 112 : index
    %swap3A_308 = tpu.vector_load %arg9[%swap3A_306, %swap3A_307] {strides = array<i32>} : memref<2x128xi32, #tpu.memory_space<vmem>>, vector<16xi32>,
    tpu.vector_store %arg9[%swap3A_306, %swap3A_307], %add3A_304 {strides = array<i32>} : memref<2x128xi32, #tpu.memory_space<vmem>>, vector<16xi32>,
    %add3A_309 = arith.constant 8192 : i32
    %add3A_310 = vector.broadcast %add3A_309 : i32 to vector<16xi32>
    %add3A_311 = arith.addi %mul3A_303, %add3A_310 : vector<16xi32>
    %add3A_312 = arith.addi %add3A_311, %get3A_294 : vector<16xi32>
    %swap3A_313 = arith.constant 1 : i32
    %swap3A_314 = arith.index_cast %swap3A_313 : i32 to index
    %swap3A_315 = arith.constant 112 : index
    %swap3A_316 = tpu.vector_load %arg9[%swap3A_314, %swap3A_315] {strides = array<i32>} : memref<2x128xi32, #tpu.memory_space<vmem>>, vector<16xi32>,
    tpu.vector_store %arg9[%swap3A_314, %swap3A_315], %add3A_312 {strides = array<i32>} : memref<2x128xi32, #tpu.memory_space<vmem>>, vector<16xi32>,
    %swap3A_317 = arith.constant 0 : i32
    %swap3A_318 = arith.index_cast %swap3A_317 : i32 to index
    %swap3A_319 = arith.constant 112 : index
    %swap3A_320 = tpu.vector_load %arg10[%swap3A_318, %swap3A_319] {strides = array<i32>} : memref<2x128xf32, #tpu.memory_space<vmem>>, vector<16xf32>,
    tpu.vector_store %arg10[%swap3A_318, %swap3A_319], %broadcast_in_dim3A_22 {strides = array<i32>} : memref<2x128xf32, #tpu.memory_space<vmem>>, vector<16xf32>,
    %swap3A_321 = arith.constant 1 : i32
    %swap3A_322 = arith.index_cast %swap3A_321 : i32 to index
    %swap3A_323 = arith.constant 112 : index
    %swap3A_324 = tpu.vector_load %arg10[%swap3A_322, %swap3A_323] {strides = array<i32>} : memref<2x128xf32, #tpu.memory_space<vmem>>, vector<16xf32>,
    tpu.vector_store %arg10[%swap3A_322, %swap3A_323], %broadcast_in_dim3A_22 {strides = array<i32>} : memref<2x128xf32, #tpu.memory_space<vmem>>, vector<16xf32>,
    %dma_start3A = arith.constant 0 : i32
    %dma_start3A_325 = arith.constant 0 : i32
    %dma_start3A_326 = arith.constant 0 : i32
    %dma_start3A_327 = tpu.memref_slice %arg10[%dma_start3A, %dma_start3A_326] : memref<2x128xf32, #tpu.memory_space<vmem>> -> memref<1x128xf32, #tpu.memory_space<vmem>>
    %dma_start3A_328 = tpu.memref_squeeze %dma_start3A_327 : memref<1x128xf32, #tpu.memory_space<vmem>> -> memref<128xf32, #tpu.memory_space<vmem>>
    %dma_start3A_329 = arith.constant 0 : i32
    %dma_start3A_330 = tpu.memref_slice %arg9[%dma_start3A_325, %dma_start3A_329] : memref<2x128xi32, #tpu.memory_space<vmem>> -> memref<1x128xi32, #tpu.memory_space<vmem>>
    %dma_start3A_331 = tpu.memref_squeeze %dma_start3A_330 : memref<1x128xi32, #tpu.memory_space<vmem>> -> memref<128xi32, #tpu.memory_space<vmem>>
    %dma_start3A_332 = arith.constant 0 : i32
    %dma_start3A_333 = tpu.memref_slice %arg5[%dma_start3A_332] : memref<67108864xf32, #tpu.memory_space<hbm>> -> memref<67108864xf32, #tpu.memory_space<hbm>>
    tpu.enqueue_indirect_dma source(%dma_start3A_328 : memref<128xf32, #tpu.memory_space<vmem>>) target(%dma_start3A_333 : memref<67108864xf32, #tpu.memory_space<hbm>>) offsets(%dma_start3A_331 : memref<128xi32, #tpu.memory_space<vmem>>) semaphore(%arg13 : memref<!tpu.dma_semaphore, #tpu.memory_space<semaphore_mem>>)
    %dma_start3A_334 = arith.constant 1 : i32
    %dma_start3A_335 = arith.constant 1 : i32
    %dma_start3A_336 = arith.constant 0 : i32
    %dma_start3A_337 = tpu.memref_slice %arg10[%dma_start3A_334, %dma_start3A_336] : memref<2x128xf32, #tpu.memory_space<vmem>> -> memref<1x128xf32, #tpu.memory_space<vmem>>
    %dma_start3A_338 = tpu.memref_squeeze %dma_start3A_337 : memref<1x128xf32, #tpu.memory_space<vmem>> -> memref<128xf32, #tpu.memory_space<vmem>>
    %dma_start3A_339 = arith.constant 0 : i32
    %dma_start3A_340 = tpu.memref_slice %arg9[%dma_start3A_335, %dma_start3A_339] : memref<2x128xi32, #tpu.memory_space<vmem>> -> memref<1x128xi32, #tpu.memory_space<vmem>>
    %dma_start3A_341 = tpu.memref_squeeze %dma_start3A_340 : memref<1x128xi32, #tpu.memory_space<vmem>> -> memref<128xi32, #tpu.memory_space<vmem>>
    %dma_start3A_342 = arith.constant 0 : i32
    %dma_start3A_343 = tpu.memref_slice %arg5[%dma_start3A_342] : memref<67108864xf32, #tpu.memory_space<hbm>> -> memref<67108864xf32, #tpu.memory_space<hbm>>
    tpu.enqueue_indirect_dma source(%dma_start3A_338 : memref<128xf32, #tpu.memory_space<vmem>>) target(%dma_start3A_343 : memref<67108864xf32, #tpu.memory_space<hbm>>) offsets(%dma_start3A_341 : memref<128xi32, #tpu.memory_space<vmem>>) semaphore(%arg13 : memref<!tpu.dma_semaphore, #tpu.memory_space<semaphore_mem>>)
    %dma_wait3A = arith.constant 0 : i32
    %dma_wait3A_344 = arith.constant 0 : i32
    %dma_wait3A_345 = arith.constant 0 : i32
    %dma_wait3A_346 = tpu.memref_slice %arg10[%dma_wait3A, %dma_wait3A_345] : memref<2x128xf32, #tpu.memory_space<vmem>> -> memref<1x128xf32, #tpu.memory_space<vmem>>
    %dma_wait3A_347 = tpu.memref_squeeze %dma_wait3A_346 : memref<1x128xf32, #tpu.memory_space<vmem>> -> memref<128xf32, #tpu.memory_space<vmem>>
    %dma_wait3A_348 = arith.constant 0 : i32
    %dma_wait3A_349 = tpu.memref_slice %arg9[%dma_wait3A_344, %dma_wait3A_348] : memref<2x128xi32, #tpu.memory_space<vmem>> -> memref<1x128xi32, #tpu.memory_space<vmem>>
    %dma_wait3A_350 = tpu.memref_squeeze %dma_wait3A_349 : memref<1x128xi32, #tpu.memory_space<vmem>> -> memref<128xi32, #tpu.memory_space<vmem>>
    %dma_wait3A_351 = arith.constant 0 : i32
    %dma_wait3A_352 = tpu.memref_slice %arg5[%dma_wait3A_351] : memref<67108864xf32, #tpu.memory_space<hbm>> -> memref<67108864xf32, #tpu.memory_space<hbm>>
    tpu.wait_indirect_dma semaphore(%arg13 : memref<!tpu.dma_semaphore, #tpu.memory_space<semaphore_mem>>) src(%dma_wait3A_347 : memref<128xf32, #tpu.memory_space<vmem>>) dst(%dma_wait3A_352 : memref<67108864xf32, #tpu.memory_space<hbm>>)
    %dma_wait3A_353 = arith.constant 1 : i32
    %dma_wait3A_354 = arith.constant 1 : i32
    %dma_wait3A_355 = arith.constant 0 : i32
    %dma_wait3A_356 = tpu.memref_slice %arg10[%dma_wait3A_353, %dma_wait3A_355] : memref<2x128xf32, #tpu.memory_space<vmem>> -> memref<1x128xf32, #tpu.memory_space<vmem>>
    %dma_wait3A_357 = tpu.memref_squeeze %dma_wait3A_356 : memref<1x128xf32, #tpu.memory_space<vmem>> -> memref<128xf32, #tpu.memory_space<vmem>>
    %dma_wait3A_358 = arith.constant 0 : i32
    %dma_wait3A_359 = tpu.memref_slice %arg9[%dma_wait3A_354, %dma_wait3A_358] : memref<2x128xi32, #tpu.memory_space<vmem>> -> memref<1x128xi32, #tpu.memory_space<vmem>>
    %dma_wait3A_360 = tpu.memref_squeeze %dma_wait3A_359 : memref<1x128xi32, #tpu.memory_space<vmem>> -> memref<128xi32, #tpu.memory_space<vmem>>
    %dma_wait3A_361 = arith.constant 0 : i32
    %dma_wait3A_362 = tpu.memref_slice %arg5[%dma_wait3A_361] : memref<67108864xf32, #tpu.memory_space<hbm>> -> memref<67108864xf32, #tpu.memory_space<hbm>>
    tpu.wait_indirect_dma semaphore(%arg13 : memref<!tpu.dma_semaphore, #tpu.memory_space<semaphore_mem>>) src(%dma_wait3A_357 : memref<128xf32, #tpu.memory_space<vmem>>) dst(%dma_wait3A_362 : memref<67108864xf32, #tpu.memory_space<hbm>>)
    return
  }
}

module attributes {stable_mosaic.version = 14 : i64} {
  func.func @_argmax_body(%arg0: i32, %arg1: memref<128x3xf32, #tpu.memory_space<vmem>>, %arg2: memref<128x3xf32, #tpu.memory_space<vmem>>, %arg3: memref<8192x3xf32, #tpu.memory_space<vmem>>, %arg4: memref<1x1x128xi32, #tpu.memory_space<vmem>>, %arg5: memref<1x1x128xi32, #tpu.memory_space<vmem>>) attributes {dimension_semantics = [#tpu.dimension_semantics<arbitrary>], iteration_bounds = array<i64: 32>, scalar_prefetch = 0 : i64, scratch_operands = 0 : i64, tpu.core_type = #tpu.core_type<tc>, window_params = [{transform_indices = @transform_0, window_bounds = array<i64: 128, 3>}, {transform_indices = @transform_1, window_bounds = array<i64: 128, 3>}, {pipeline_mode = #tpu.pipeline_mode<synchronous>, transform_indices = @transform_2, window_bounds = array<i64: 8192, 3>}, {transform_indices = @transform_3, window_bounds = array<i64: 1, 1, 128>}, {transform_indices = @transform_4, window_bounds = array<i64: 1, 1, 128>}]} {
    %get3A = arith.constant 0 : index
    %get3A_0 = arith.constant 0 : index
    %get3A_1 = vector.load %arg3[%get3A, %get3A_0] : memref<8192x3xf32, #tpu.memory_space<vmem>>, vector<8192x3xf32>
    %get3A_2 = arith.constant 0 : index
    %get3A_3 = arith.constant 0 : index
    %get3A_4 = vector.load %arg1[%get3A_2, %get3A_3] : memref<128x3xf32, #tpu.memory_space<vmem>>, vector<128x3xf32>
    %slice3A = vector.extract_strided_slice %get3A_4 {offsets = [0, 0], sizes = [128, 1], strides = [1, 1]} : vector<128x3xf32> to vector<128x1xf32>
    %slice3A_5 = vector.extract_strided_slice %get3A_4 {offsets = [0, 0], sizes = [128, 1], strides = [1, 1]} : vector<128x3xf32> to vector<128x1xf32>
    %mul3A = arith.mulf %slice3A, %slice3A_5 : vector<128x1xf32>
    %slice3A_6 = vector.extract_strided_slice %get3A_4 {offsets = [0, 1], sizes = [128, 1], strides = [1, 1]} : vector<128x3xf32> to vector<128x1xf32>
    %slice3A_7 = vector.extract_strided_slice %get3A_4 {offsets = [0, 1], sizes = [128, 1], strides = [1, 1]} : vector<128x3xf32> to vector<128x1xf32>
    %mul3A_8 = arith.mulf %slice3A_6, %slice3A_7 : vector<128x1xf32>
    %add3A = arith.addf %mul3A, %mul3A_8 : vector<128x1xf32>
    %slice3A_9 = vector.extract_strided_slice %get3A_4 {offsets = [0, 2], sizes = [128, 1], strides = [1, 1]} : vector<128x3xf32> to vector<128x1xf32>
    %slice3A_10 = vector.extract_strided_slice %get3A_4 {offsets = [0, 2], sizes = [128, 1], strides = [1, 1]} : vector<128x3xf32> to vector<128x1xf32>
    %mul3A_11 = arith.mulf %slice3A_9, %slice3A_10 : vector<128x1xf32>
    %add3A_12 = arith.addf %add3A, %mul3A_11 : vector<128x1xf32>
    %rsqrt3A = math.rsqrt %add3A_12 : vector<128x1xf32>
    %mul3A_13 = arith.mulf %add3A_12, %rsqrt3A : vector<128x1xf32>
    %reciprocal3A = tpu.reciprocal %mul3A_13 {approx = true} : vector<128x1xf32> -> vector<128x1xf32>
    %mul3A_14 = vector.broadcast %reciprocal3A : vector<128x1xf32> to vector<128x3xf32>
    %mul3A_15 = arith.mulf %get3A_4, %mul3A_14 : vector<128x3xf32>
    %convert_element_type3A = arith.truncf %mul3A_15 : vector<128x3xf32> to vector<128x3xbf16>
    %convert_element_type3A_16 = arith.extf %convert_element_type3A : vector<128x3xbf16> to vector<128x3xf32>
    %get3A_17 = arith.constant 0 : index
    %get3A_18 = arith.constant 0 : index
    %get3A_19 = vector.load %arg2[%get3A_17, %get3A_18] : memref<128x3xf32, #tpu.memory_space<vmem>>, vector<128x3xf32>
    %slice3A_20 = vector.extract_strided_slice %get3A_19 {offsets = [0, 0], sizes = [128, 1], strides = [1, 1]} : vector<128x3xf32> to vector<128x1xf32>
    %slice3A_21 = vector.extract_strided_slice %get3A_19 {offsets = [0, 0], sizes = [128, 1], strides = [1, 1]} : vector<128x3xf32> to vector<128x1xf32>
    %mul3A_22 = arith.mulf %slice3A_20, %slice3A_21 : vector<128x1xf32>
    %slice3A_23 = vector.extract_strided_slice %get3A_19 {offsets = [0, 1], sizes = [128, 1], strides = [1, 1]} : vector<128x3xf32> to vector<128x1xf32>
    %slice3A_24 = vector.extract_strided_slice %get3A_19 {offsets = [0, 1], sizes = [128, 1], strides = [1, 1]} : vector<128x3xf32> to vector<128x1xf32>
    %mul3A_25 = arith.mulf %slice3A_23, %slice3A_24 : vector<128x1xf32>
    %add3A_26 = arith.addf %mul3A_22, %mul3A_25 : vector<128x1xf32>
    %slice3A_27 = vector.extract_strided_slice %get3A_19 {offsets = [0, 2], sizes = [128, 1], strides = [1, 1]} : vector<128x3xf32> to vector<128x1xf32>
    %slice3A_28 = vector.extract_strided_slice %get3A_19 {offsets = [0, 2], sizes = [128, 1], strides = [1, 1]} : vector<128x3xf32> to vector<128x1xf32>
    %mul3A_29 = arith.mulf %slice3A_27, %slice3A_28 : vector<128x1xf32>
    %add3A_30 = arith.addf %add3A_26, %mul3A_29 : vector<128x1xf32>
    %rsqrt3A_31 = math.rsqrt %add3A_30 : vector<128x1xf32>
    %mul3A_32 = arith.mulf %add3A_30, %rsqrt3A_31 : vector<128x1xf32>
    %reciprocal3A_33 = tpu.reciprocal %mul3A_32 {approx = true} : vector<128x1xf32> -> vector<128x1xf32>
    %mul3A_34 = vector.broadcast %reciprocal3A_33 : vector<128x1xf32> to vector<128x3xf32>
    %mul3A_35 = arith.mulf %get3A_19, %mul3A_34 : vector<128x3xf32>
    %convert_element_type3A_36 = arith.truncf %mul3A_35 : vector<128x3xf32> to vector<128x3xbf16>
    %convert_element_type3A_37 = arith.extf %convert_element_type3A_36 : vector<128x3xbf16> to vector<128x3xf32>
    %dot_general3A = arith.constant dense<0.000000e+00> : vector<8192x128xf32>
    %dot_general3A_38 = tpu.matmul %get3A_1, %convert_element_type3A_16, %dot_general3A {dimension_numbers = #tpu.dot_dimension_numbers<[1], [1], [0], [0], [0, 0, 1, 0], [], []>, transpose_lhs_hint = false} : vector<8192x3xf32>, vector<128x3xf32>, vector<8192x128xf32> -> vector<8192x128xf32>
    %dot_general3A_39 = arith.constant dense<0.000000e+00> : vector<8192x128xf32>
    %dot_general3A_40 = tpu.matmul %get3A_1, %convert_element_type3A_37, %dot_general3A_39 {dimension_numbers = #tpu.dot_dimension_numbers<[1], [1], [0], [0], [0, 0, 1, 0], [], []>, transpose_lhs_hint = false} : vector<8192x3xf32>, vector<128x3xf32>, vector<8192x128xf32> -> vector<8192x128xf32>
    %iota3A = tpu.iota {dimensions = array<i32: 0>} : vector<8192x128xi32>
    %reduce_max3A = arith.constant dense<0xFF800000> : vector<128xf32>
    %reduce_max3A_41 = vector.multi_reduction <maximumf>, %dot_general3A_38, %reduce_max3A [0] : vector<8192x128xf32> to vector<128xf32>
    %broadcast_in_dim3A = vector.shape_cast %reduce_max3A_41 : vector<128xf32> to vector<1x128xf32>
    %reduce_max3A_42 = arith.constant dense<0xFF800000> : vector<128xf32>
    %reduce_max3A_43 = vector.multi_reduction <maximumf>, %dot_general3A_40, %reduce_max3A_42 [0] : vector<8192x128xf32> to vector<128xf32>
    %broadcast_in_dim3A_44 = vector.shape_cast %reduce_max3A_43 : vector<128xf32> to vector<1x128xf32>
    %eq3A = vector.broadcast %broadcast_in_dim3A : vector<1x128xf32> to vector<8192x128xf32>
    %eq3A_45 = arith.cmpf oeq, %dot_general3A_38, %eq3A : vector<8192x128xf32>
    %jit3A = arith.constant 8192 : i32
    %broadcast_in_dim3A_46 = vector.broadcast %jit3A : i32 to vector<8192x128xi32>
    %select_n3A = arith.select %eq3A_45, %iota3A, %broadcast_in_dim3A_46 : vector<8192x128xi1>, vector<8192x128xi32>
    %reduce_min3A = arith.constant dense<2147483647> : vector<128xi32>
    %reduce_min3A_47 = vector.multi_reduction <minsi>, %select_n3A, %reduce_min3A [0] : vector<8192x128xi32> to vector<128xi32>
    %eq3A_48 = vector.broadcast %broadcast_in_dim3A_44 : vector<1x128xf32> to vector<8192x128xf32>
    %eq3A_49 = arith.cmpf oeq, %dot_general3A_40, %eq3A_48 : vector<8192x128xf32>
    %jit3A_50 = arith.constant 8192 : i32
    %broadcast_in_dim3A_51 = vector.broadcast %jit3A_50 : i32 to vector<8192x128xi32>
    %select_n3A_52 = arith.select %eq3A_49, %iota3A, %broadcast_in_dim3A_51 : vector<8192x128xi1>, vector<8192x128xi32>
    %reduce_min3A_53 = arith.constant dense<2147483647> : vector<128xi32>
    %reduce_min3A_54 = vector.multi_reduction <minsi>, %select_n3A_52, %reduce_min3A_53 [0] : vector<8192x128xi32> to vector<128xi32>
    %broadcast_in_dim3A_55 = vector.shape_cast %reduce_min3A_47 : vector<128xi32> to vector<1x1x128xi32>
    %swap3A = arith.constant 0 : index
    %swap3A_56 = arith.constant 0 : index
    %swap3A_57 = arith.constant 0 : index
    %swap3A_58 = vector.load %arg4[%swap3A, %swap3A_56, %swap3A_57] : memref<1x1x128xi32, #tpu.memory_space<vmem>>, vector<1x1x128xi32>
    tpu.vector_store %arg4[%swap3A, %swap3A_56, %swap3A_57], %broadcast_in_dim3A_55 {strides = array<i32>} : memref<1x1x128xi32, #tpu.memory_space<vmem>>, vector<1x1x128xi32>,
    %broadcast_in_dim3A_59 = vector.shape_cast %reduce_min3A_54 : vector<128xi32> to vector<1x1x128xi32>
    %swap3A_60 = arith.constant 0 : index
    %swap3A_61 = arith.constant 0 : index
    %swap3A_62 = arith.constant 0 : index
    %swap3A_63 = vector.load %arg5[%swap3A_60, %swap3A_61, %swap3A_62] : memref<1x1x128xi32, #tpu.memory_space<vmem>>, vector<1x1x128xi32>
    tpu.vector_store %arg5[%swap3A_60, %swap3A_61, %swap3A_62], %broadcast_in_dim3A_59 {strides = array<i32>} : memref<1x1x128xi32, #tpu.memory_space<vmem>>, vector<1x1x128xi32>,
    return
  }
  func.func @transform_0(%arg0: i32) -> (i32, i32) {
    %c0_i32 = arith.constant 0 : i32
    %c0_i32_0 = arith.constant 0 : i32
    return %arg0, %c0_i32 : i32, i32
  }
  func.func @transform_1(%arg0: i32) -> (i32, i32) {
    %c0_i32 = arith.constant 0 : i32
    %c0_i32_0 = arith.constant 0 : i32
    return %arg0, %c0_i32 : i32, i32
  }
  func.func @transform_2(%arg0: i32) -> (i32, i32) {
    %c0_i32 = arith.constant 0 : i32
    %c0_i32_0 = arith.constant 0 : i32
    %c0_i32_1 = arith.constant 0 : i32
    return %c0_i32, %c0_i32_0 : i32, i32
  }
  func.func @transform_3(%arg0: i32) -> (i32, i32, i32) {
    %c0_i32 = arith.constant 0 : i32
    %c0_i32_0 = arith.constant 0 : i32
    %c0_i32_1 = arith.constant 0 : i32
    return %arg0, %c0_i32, %c0_i32_0 : i32, i32, i32
  }
  func.func @transform_4(%arg0: i32) -> (i32, i32, i32) {
    %c0_i32 = arith.constant 0 : i32
    %c0_i32_0 = arith.constant 0 : i32
    %c0_i32_1 = arith.constant 0 : i32
    return %arg0, %c0_i32, %c0_i32_0 : i32, i32, i32
  }
}

</mosaic_0001>

<sc_bundles>
// kernel: kernel.4.cloned.1.call-start
scs
__scs_entry_jumppad:
0x0: {  	(pc) =	sbr.rel $0x88, $3  }
0x1: {  	(tag) =	ssettag $0x0;
	lr =	simm.s32 $0x1  }
0x2: {  	[smem:$0x3F9F] =	sst lr;
	_ =	strace $0xD0000000  }
0x3: {  	_ = 	snop  }
0x4: {  	_ = 	snop  }
0x5: {  	_ = 	snop  }
0x6: {  	_ = 	snop  }
0x7: {  	_ = 	snop  }
__scs_overlays_trampoline_lowered:
0x8: {  	[smem:$0x3FAE] =	sst s0  }
0x9: {  	[smem:$0x3FAF] =	sst s1  }
0xa: {  	[smem:$0x3FB0] =	sst s2  }
0xb: {  	[smem:$0x3FB1] =	sst s3  }
0xc: {  	[smem:$0x3FB2] =	sst s4  }
0xd: {  	[smem:$0x3FB3] =	sst s5  }
0xe: {  	[smem:$0x3FB4] =	sst s6  }
0xf: {  	[smem:$0x3FB5] =	sst s7  }
0x10: {  	[smem:$0x3FB6] =	sst s8  }
0x11: {  	[smem:$0x3FB7] =	sst s9;
	s0 =	simm.s32 @!p0 $0x0  }
0x12: {  	s1 =	sld [smem:$0x3F9D];
	s0 =	simm.s32 @p0 $0x1  }
0x13: {  	[smem:$0x3FB8] =	sst s0;
	s0 =	simm.s32 @!p1 $0x0  }
0x14: {  	s2 =	sld [smem:$0x3F9C];
	s0 =	simm.s32 @p1 $0x1  }
0x15: {  	[smem:$0x3FB9] =	sst s0;
	s0 =	simm.s32 @!p2 $0x0  }
0x16: {  	s3 =	sld [smem:$0x3FDB];
	s0 =	simm.s32 @p2 $0x1  }
0x17: {  	s4 =	simm.s32 $0x1BF5;
	[smem:$0x3FBB] =	sst s0  }
0x18: {  	s0 =	sld [smem:$0x3F9E];
	_ =	swait.ge [sflag:s4], $0x0  }
0x19: {  	s7 =	sld [smem:$0x3F9F]  }
0x1a: {  	s8 =	sadd.s32 $0xFFFFE003, lr  }
0x1b: {  	s9 =	sadd.s32 $0xFFFFFEF7, lr;
	s5 =	simm.s32 $0xFFFFFFFF;
	p2 =	slt.u32 s8, $0xFFFFF086  }
0x1c: {  	p1 =	slt.u32 s9, $0xF7A;
	s5 =	simm.s32 @!p2 $0x0  }
0x1d: {  	s5 =	simm.s32 @p1 $0x1;
	p0 =	seq.s32 s7, s2  }
0x1e: {  	s7 =	smul.u32 @!p0 $0xF7A, s2;
	p2 =	seq.s32 @!p0 s5, $0x0  }
0x1f: {  	s9 =	smul.u32 $0xF7A, s1;
	s8 =	simm.s32 @!p0 $0x1BF5;
	p2 =	por !p2, p0  }
0x20: {  	[sflag:s8] =	ssyncset.s32 @!p0 $0xFFFFF086;
	s6 =	sadd.s32 @!p0 s3, s7;
	s7 =	simm.s32 @!p0 $0x108  }
0x21: {  	s3 =	sadd.s32 s3, s9;
	s6 =	sadd.s32 @!p0 $0x88, s6;
	s7 =	simm.s32 @p2 $0x1082  }
0x22: {  	[simem:s7], [sflag:s8] =	dma.local @!p0 [hbm:s6], $0xF7A  }
0x23: {  	s9 =	sor.u32 $0xD0000000, s2;
	s6 =	simm.s32 $0x108;
	_ =	swait.ge @!p0 [sflag:s8], $0x0  }
0x24: {  	s3 =	sadd.s32 $0x88, s3;
	s6 =	simm.s32 @!p1 $0x1082;
	[sflag:s4] =	ssyncset.s32 $0xFFFFF086  }
0x25: {  	[simem:s6], [sflag:s4] =	dma.local [hbm:s3], $0xF7A  }
0x26: {  	[smem:$0x3F9F] =	sst s1;
	(tag) =	ssettag s2;
	_ =	strace s9  }
0x27: {  	s1 =	sld [smem:$0x3FAF]  }
0x28: {  	s2 =	sld [smem:$0x3FB0]  }
0x29: {  	s4 =	sld [smem:$0x3FB2]  }
0x2a: {  	p0 =	seq.s32 s5, $0x0;
	s5 =	sld [smem:$0x3FB3]  }
0x2b: {  	s6 =	sld [smem:$0x3FB4]  }
0x2c: {  	s7 =	sld [smem:$0x3FB5]  }
0x2d: {  	s3 =	simm.s32 $0x108;
	s8 =	sld [smem:$0x3FB6]  }
0x2e: {  	s3 =	simm.s32 @!p0 $0x1082;
	s9 =	sld [smem:$0x3FB7]  }
0x2f: {  	lr =	sadd.s32 s0, s3;
	s0 =	sld [smem:$0x3FAE]  }
0x30: {  	s3 =	sld [smem:$0x3FB1]  }
0x31: {  	[smem:$0x3FBA] =	sst s10  }
0x32: {  	s10 =	sld [smem:$0x3FB8];
	_ =	sdelay $0x3  }
0x33: {  	p0 =	seq.s32 s10, $0x1;
	s10 =	sld [smem:$0x3FBA];
	_ =	sdelay $0x3  }
0x34: {  	[smem:$0x3FBA] =	sst s10  }
0x35: {  	s10 =	sld [smem:$0x3FB9];
	_ =	sdelay $0x3  }
0x36: {  	p1 =	seq.s32 s10, $0x1;
	s10 =	sld [smem:$0x3FBA];
	_ =	sdelay $0x3  }
0x37: {  	[smem:$0x3FBA] =	sst s10  }
0x38: {  	s10 =	sld [smem:$0x3FBB]  }
0x39: {  	_ = 	snop;
	(pc) =	sbr.ind lr, $3  }
0x3a: {  	_ = 	snop  }
0x3b: {  	_ = 	snop  }
0x3c: {  	p2 =	seq.s32 s10, $0x1;
	s10 =	sld [smem:$0x3FBA]  }
0x3d: {  	_ =	shalt  }
0x3e: {  	_ =	shalt  }
0x3f: {  	_ =	shalt  }
0x40: {  	_ =	shalt  }
0x41: {  	_ =	shalt  }
0x42: {  	_ =	shalt  }
0x43: {  	_ =	shalt  }
0x44: {  	_ =	shalt  }
0x45: {  	_ =	shalt  }
0x46: {  	_ =	shalt  }
0x47: {  	_ =	shalt  }
0x48: {  	_ =	shalt  }
0x49: {  	_ =	shalt  }
0x4a: {  	_ =	shalt  }
0x4b: {  	_ =	shalt  }
0x4c: {  	_ =	shalt  }
0x4d: {  	_ =	shalt  }
0x4e: {  	_ =	shalt  }
0x4f: {  	_ =	shalt  }
0x50: {  	_ =	shalt  }
0x51: {  	_ =	shalt  }
0x52: {  	_ =	shalt  }
0x53: {  	_ =	shalt  }
0x54: {  	_ =	shalt  }
0x55: {  	_ =	shalt  }
0x56: {  	_ =	shalt  }
0x57: {  	_ =	shalt  }
0x58: {  	_ =	shalt  }
0x59: {  	_ =	shalt  }
0x5a: {  	_ =	shalt  }
0x5b: {  	_ =	shalt  }
0x5c: {  	_ =	shalt  }
0x5d: {  	_ =	shalt  }
0x5e: {  	_ =	shalt  }
0x5f: {  	_ =	shalt  }
0x60: {  	_ =	shalt  }
0x61: {  	_ =	shalt  }
0x62: {  	_ =	shalt  }
0x63: {  	_ =	shalt  }
0x64: {  	_ =	shalt  }
0x65: {  	_ =	shalt  }
0x66: {  	_ =	shalt  }
0x67: {  	_ =	shalt  }
0x68: {  	_ =	shalt  }
0x69: {  	_ =	shalt  }
0x6a: {  	_ =	shalt  }
0x6b: {  	_ =	shalt  }
0x6c: {  	_ =	shalt  }
0x6d: {  	_ =	shalt  }
0x6e: {  	_ =	shalt  }
0x6f: {  	_ =	shalt  }
0x70: {  	_ =	shalt  }
0x71: {  	_ =	shalt  }
0x72: {  	_ =	shalt  }
0x73: {  	_ =	shalt  }
0x74: {  	_ =	shalt  }
0x75: {  	_ =	shalt  }
0x76: {  	_ =	shalt  }
0x77: {  	_ =	shalt  }
0x78: {  	_ =	shalt  }
0x79: {  	_ =	shalt  }
0x7a: {  	_ =	shalt  }
0x7b: {  	_ =	shalt  }
0x7c: {  	_ =	shalt  }
0x7d: {  	_ =	shalt  }
0x7e: {  	_ =	shalt  }
0x7f: {  	_ =	shalt  }
0x80: {  	_ =	shalt  }
0x81: {  	_ =	shalt  }
0x82: {  	_ =	shalt  }
0x83: {  	_ =	shalt  }
0x84: {  	_ =	shalt  }
0x85: {  	_ =	shalt  }
0x86: {  	_ =	shalt  }
0x87: {  	_ =	shalt  }
.Lfunc_end0:
.L_simem_size_0:
called_computation_lowered:
.L_overlay_start_0:
0x88: {  	s2 =	sld [smem:$0x3FD9]  }
0x89: {  	s3 =	sld [smem:$0x3FFE];
	_ =	sdelay $0x1  }
0x8a: {  	s1 =	srdreg.scid  }
0x8b: {  	s0 =	sand.u32 $0x1, s1  }
0x8c: {  	s17 =	sshll.u32 s0, $0xA;
	s2 =	sadd.s32 s3, s2  }
0x8d: {  	s2 =	sadd.s32 s2, s17  }
0x8e: {  	[smem:$0x3FC6] =	sst s2  }
0x8f: {  	_ = 	snop  }
0x90: {  	s2 =	sld [smem:$0x3FD0];
	(tm) =	ssettm $0x1  }
0x91: {  	s18 =	sld [smem:$0x3FFB];
	_ =	sdelay $0x3  }
0x92: {  	_ =	strace s18  }
0x93: {  	s3 =	sld [smem:$0x3FFC];
	_ =	sdelay $0x3  }
0x94: {  	_ =	strace s3  }
0x95: {  	s3 =	sld [smem:$0x3FFD];
	_ =	sdelay $0x3  }
0x96: {  	_ =	strace s3  }
0x97: {  	_ =	strace $0x8FFFFFFF  }
0x98: {  	s19 =	sld [smem:$0x3FDB];
	_ =	sdelay $0x1  }
0x99: {  	s4 =	simm.s32 $_scs_section_size  }
0x9a: {  	s5 =	simm.s32 $_size__tile_overlayer_lowered;
	s6 =	simm.s32 $_tile_overlayer_lowered  }
0x9b: {  	s22 =	simm.s32 $0x1BFF;
	s21 =	sshll.u32 s6, $0x1;
	s3 =	sadd.s32 s4, s19  }
0x9c: {  	s7 =	simm.s32 $0x0;
	s20 =	sshll.u32 s5, $0x1;
	s5 =	sadd.s32 s21, s3  }
0x9d: {  	[timem:s7], [sflag:s22] =	dma.local [hbm:s5], s20  }
0x9e: {  	_ =	swait.ge [sflag:s22], s20  }
0x9f: {  	s4 =	ssub.s32 $0x0, s20;
	[sflag:s22] =	ssyncset.done $0x0  }
0xa0: {  	[sflag:s22] =	ssyncadd.s32 s4;
	_ =	sdelay $0x1  }
0xa1: {  	s23 =	simm.s32 $0x1B8B  }
0xa2: {  	_ =	swait.ge [sflag:s23], $0x1  }
0xa3: {  	[sflag:s23] =	ssyncset.done $0x0  }
0xa4: {  	s25 =	simm.s32 $0x1B8E;
	s24 =	sld [smem:$0x3FFE];
	[sflag:s23] =	ssyncadd.s32 $0xFFFFFFFF  }
0xa5: {  	s26 =	simm.s32 $execute0_lowered;
	[smem:$0x3FD2] =	sst s25  }
0xa6: {  	s5 =	sshll.u32 s26, $0x1;
	_ =	strace $0x80000046;
	[dreg:$0x1] =	wrdreg $0xFFFFFFFF  }
0xa7: {  	s28 =	simm.s32 $_size_execute0_lowered;
	s3 =	sadd.s32 s3, s5;
	[dreg:$0x0] =	wrdreg $0x0  }
0xa8: {  	s5 =	sshll.u32 s28, $0x1;
	[dreg:$0x2] =	wrdreg s3  }
0xa9: {  	[dreg:$0x3] =	wrdreg s5  }
0xaa: {  	[dreg:$0x4] =	wrdreg $0xC0  }
0xab: {  	_ =	task [dreg:s7], $0x5FFFF  }
0xac: {  	[dreg:$0x1] =	wrdreg $0xFFFFFFFF  }
0xad: {  	[dreg:$0x0] =	wrdreg $0x60  }
0xae: {  	[dreg:$0x2] =	wrdreg s24  }
0xaf: {  	[dreg:$0x3] =	wrdreg s2  }
0xb0: {  	[dreg:$0x4] =	wrdreg $0x83000  }
0xb1: {  	[dreg:$0x5] =	wrdreg $0x9  }
0xb2: {  	_ =	task.clear_ibuf [dreg:s7], $0x6FFFF;
	_ =	strace $0x90000046  }
0xb3: {  	s29 =	simm.s32 $0x9;
	_ =	strace $0x80000048  }
0xb4: {  	_ =	swait.ge [sflag:s29], $0x1  }
0xb5: {  	[sflag:s29] =	ssyncadd.s32 $0xFFFFFFFF  }
0xb6: {  	_ =	strace $0x90000048  }
0xb7: {  	_ =	sfence  }
0xb8: {  	s30 =	sld [smem:$0x0];
	_ =	sdelay $0x2  }
0xb9: {  	s31 =	sshll.u32 s1, $0xD;
	s1 =	sshrl.u32 s1, $0x2  }
0xba: {  	s3 =	sand.u32 $0x4000, s31;
	s1 =	sadd.s32 s1, s30  }
0xbb: {  	s0 =	sor.u32 s3, s0;
	s1 =	sshll.u32 s1, $0x11  }
0xbc: {  	s0 =	sor.u32 s1, s0  }
0xbd: {  	s0 =	sadd.s32 $0x8F2B, s0  }
0xbe: {  	[sflag:s0] =	ssyncadd.remote.s32 $0x1  }
0xbf: {  	_ =	sfence.sel $0xFFFF  }
0xc0: {  	[dreg:$0x0] =	wrdreg $0xFFFFFFFF;
	(pc) =	sbr.abs _section_cstart, $3  }
0xc1: {  	[dreg:$0x1] =	wrdreg $0xFFFFFFFF  }
0xc2: {  	_ =	task.clear_ibuf [dreg:s7], $0x2FFFF;
	_ =	strace $0x9FFFFFFF  }
0xc3: {  	(tm) =	ssettm $0x7FFFFFFF  }
tec
execute0_lowered:
.L_overlay_start_1:
0x0: {  	(tag) =	ssettag $0x1  }
0x1: {  	s1 =	srdreg.scid  }
0x2: {  	s0 =	stileid.u32;
	s4 =	rddreg [dreg:$0x0]  }
0x3: {  	s2 =	rddreg [dreg:$0x1];
	s8 =	sand.u32 $0x1, s1;
	s21 =	sshll.u32 s0, $0x1  }
0x4: {  	s7 =	rddreg [dreg:$0x2];
	s3 =	simm.s32 $0x0;
	s5 =	sor.u32 s8, s21  }
0x5: {  	s15 =	simm.s32 $0x1;
	s16 =	simm.s32 $0x8100;
	s9 =	sshll.u32 s5, $0x7  }
0x6: {  	v0 =	vlaneseq.u32;
	s17 =	simm.s32 $0x8200;
	s18 =	simm.s32 $0x8180;
	v16 =	vimm.f32 $1.000000000e+00;
	s6 =	sor.u32 $0x10, s9  }
0x7: {  	s19 =	simm.s32 $0x8280;
	v13 =	vmul.u32 $0x4000, v0;
	v1 =	vmov s9;
	s24 =	sor.u32 $0x20, s9;
	s12 =	sor.u32 $0x30, s9;
	v0 =	vmov s6  }
0x8: {  	s13 =	sor.u32 $0x40, s9;
	s25 =	sor.u32 $0x50, s9;
	s26 =	sor.u32 $0x60, s9;
	v1 =	vshll.u32 v1, $0xE;
	v4 =	vmov s24;
	v5 =	vmov s12  }
0x9: {  	s20 =	simm.s32 $0x2;
	s1 =	rddreg [dreg:$0x3];
	s14 =	sor.u32 $0x70, s9;
	v6 =	vmov s13;
	v10 =	vmov s25;
	v11 =	vmov s26  }
0xa: {  	[smem:$0x7FF] =	sst s3;
	s11 =	sshll.u32 s0, $0xF;
	s28 =	sshll.u32 s0, $0x13;
	v12 =	vmov s14;
	v2 =	vshll.u32 v0, $0xE;
	v0 =	vor.u32 v13, v1  }
0xb: {  	s31 =	sshll.u32 s0, $0x6;
	s10 =	ssub.s32 $0x2, s8;
	_ =	strace $0x80000047;
	v4 =	vshll.u32 v4, $0xE;
	v7 =	vshll.u32 v5, $0xE;
	v8 =	vshll.u32 v6, $0xE  }
0xc: {  	s7 =	sadd.s32 s11, s7;
	s30 =	sshll.u32 s8, $0x12;
	s11 =	simm.s32 $0x80;
	v10 =	vshll.u32 v10, $0xE;
	v14 =	vshll.u32 v11, $0xE;
	v15 =	vshll.u32 v12, $0xE  }
0xd: {  	s21 =	simm.s32 $0x0;
	s5 =	sshll.u32 s5, $0x4;
	s23 =	sshrl.u32 s10, $0x1;
	v1 =	vor.u32 v13, v2;
	v2 =	vor.u32 $0x2000, v0;
	v4 =	vor.u32 v13, v4  }
0xe: {  	s22 =	sadd.s32 s5, s4;
	s4 =	sadd.s32 $0x1200, s4;
	s10 =	ssub.s32 s10, s23;
	v6 =	vor.u32 v13, v7;
	v7 =	vor.u32 v13, v8;
	v10 =	vor.u32 v13, v10  }
0xf: {  	s5 =	sadd.s32 $0x1000, s22;
	s6 =	sadd.s32 $0xE00, s22;
	s29 =	sadd.s32 s28, s4;
	v12 =	vor.u32 v13, v14;
	v13 =	vor.u32 v13, v15;
	v3 =	vor.u32 $0x2000, v1  }
0x10: {  	s8 =	smax.u32 s10, $0x1;
	s10 =	simm.s32 $0x3;
	s12 =	simm.s32 $0x100;
	v5 =	vor.u32 $0x2000, v4;
	v8 =	vor.u32 $0x2000, v6;
	v9 =	vor.u32 $0x2000, v7  }
0x11: {  	s13 =	sor.u32 $0x1C01, s31;
	s14 =	sshrl.u32 s7, $0x3;
	s9 =	sadd.s32 s30, s29;
	v11 =	vor.u32 $0x2000, v10;
	v14 =	vor.u32 $0x2000, v12;
	v15 =	vor.u32 $0x2000, v13  }
.LBB2_1:
0x12: {  	[tilespmem:s3], [sflag:$0x3] =	stream.linear.gather [hbm4b:s5+s3], $0x80, $0x38;
	[tilespmem:$0x10300] =	vst v63  }
0x13: {  	_ =	swait.ge [sflag:s10], $0x80  }
0x14: {  	[sflag:s10] =	ssyncset.done $0x0  }
0x15: {  	[sflag:s10] =	ssyncadd.s32 $0xFFFFFF80  }
0x16: {  	[tilespmem:s11], [sflag:$0x3] =	stream.linear.gather [hbm4b:s6+s3], $0x80, $0x38;
	[tilespmem:$0x10300] =	vst v63  }
0x17: {  	_ =	swait.ge [sflag:s10], $0x80  }
0x18: {  	[sflag:s10] =	ssyncset.done $0x0  }
0x19: {  	[sflag:s10] =	ssyncadd.s32 $0xFFFFFF80  }
0x1a: {  	[tilespmem:s12], [sflag:$0x3] =	stream.linear.gather [hbm4b:s2+s3], $0x8000, $0x38;
	[tilespmem:$0x10300] =	vst v63  }
0x1b: {  	_ =	swait.ge [sflag:s10], $0x8000  }
0x1c: {  	[sflag:s10] =	ssyncset.done $0x0  }
0x1d: {  	[sflag:s10] =	ssyncadd.s32 $0xFFFF8000  }
0x1e: {  	[spmem:s7] =	stream.linear.scatter [tilespmem:s12], [sflag:$0x3], $0x8000, $0x38;
	[tilespmem:$0x10300] =	vst v63  }
0x1f: {  	_ =	swait.ge [sflag:s10], $0x8000  }
0x20: {  	p0 =	por $0x1, $0x1;
	[sflag:s10] =	ssyncset.done $0x0  }
0x21: {  	s24 =	simm.s32 @!p0 $0x1;
	[sflag:s10] =	ssyncadd.s32 $0xFFFF8000  }
0x22: {  	[hbm:s9], [sflag:s13] =	dma.local [spmem:s14], $0x1000  }
0x23: {  	_ =	swait.ge @!p0 [sflag:s24], $0x1000  }
0x24: {  	s22 =	simm.s32 $0x1;
	s23 =	smov.u32 s9;
	[sflag:s24] =	ssyncset.done @!p0 $0x0  }
.LBB2_2:
0x25: {  	[sflag:s24] =	ssyncadd.s32 @!p0 $0xFFFFF000  }
0x26: {  	s23 =	sadd.s32 $0x1000, s23;
	s24 =	smov.u32 s22;
	s22 =	sadd.s32 $0x1, s22  }
0x27: {  	p1 =	sne.s32 s22, $0x40  }
0x28: {  	[hbm:s23], [sflag:s13] =	dma.local [spmem:s14], $0x1000  }
.Ltmp0:
0x29: {  	_ = 	snop;
	(pc) =	sbr.rel @p1 .LBB2_2-.Ltmp0, $4  }
0x2a: {  	p0 =	slt.u32 s24, $0x8  }
0x2b: {  	s24 =	simm.s32 @!p0 $0x1  }
0x2c: {  	_ =	swait.ge @!p0 [sflag:s24], $0x1000  }
0x2d: {  	[sflag:s24] =	ssyncset.done @!p0 $0x0  }
0x2e: {  	[sflag:s24] =	ssyncadd.s32 @!p0 $0xFFFFF000  }
0x2f: {  	_ =	swait.ge [sflag:s15], $0x1000  }
0x30: {  	[sflag:s15] =	ssyncset.done $0x0  }
0x31: {  	[sflag:s15] =	ssyncadd.s32 $0xFFFFF000  }
0x32: {  	_ =	swait.ge [sflag:s15], $0x1000  }
0x33: {  	[sflag:s15] =	ssyncset.done $0x0  }
0x34: {  	[sflag:s15] =	ssyncadd.s32 $0xFFFFF000  }
0x35: {  	_ =	swait.ge [sflag:s15], $0x1000  }
0x36: {  	[sflag:s15] =	ssyncset.done $0x0  }
0x37: {  	[sflag:s15] =	ssyncadd.s32 $0xFFFFF000  }
0x38: {  	_ =	swait.ge [sflag:s15], $0x1000  }
0x39: {  	[sflag:s15] =	ssyncset.done $0x0  }
0x3a: {  	[sflag:s15] =	ssyncadd.s32 $0xFFFFF000  }
0x3b: {  	_ =	swait.ge [sflag:s15], $0x1000  }
0x3c: {  	[sflag:s15] =	ssyncset.done $0x0  }
0x3d: {  	[sflag:s15] =	ssyncadd.s32 $0xFFFFF000  }
0x3e: {  	_ =	swait.ge [sflag:s15], $0x1000  }
0x3f: {  	[sflag:s15] =	ssyncset.done $0x0  }
0x40: {  	[sflag:s15] =	ssyncadd.s32 $0xFFFFF000  }
0x41: {  	_ =	swait.ge [sflag:s15], $0x1000  }
0x42: {  	[sflag:s15] =	ssyncset.done $0x0  }
0x43: {  	[sflag:s15] =	ssyncadd.s32 $0xFFFFF000  }
0x44: {  	_ =	swait.ge [sflag:s15], $0x1000  }
0x45: {  	[sflag:s15] =	ssyncset.done $0x0  }
0x46: {  	[sflag:s15] =	ssyncadd.s32 $0xFFFFF000  }
0x47: {  	v17 =	vld [tilespmem:$0x0]  }
0x48: {  	v18 =	vld [tilespmem:$0x80]  }
0x49: {  	v19 =	vld [tilespmem:$0x10]  }
0x4a: {  	v20 =	vld [tilespmem:$0x90]  }
0x4b: {  	v21 =	vld [tilespmem:$0x20];
	[tilespmem:$0x8200] =	vst v16  }
0x4c: {  	v22 =	vld [tilespmem:$0xA0];
	[tilespmem:$0x8280] =	vst v16;
	v17 =	vadd.s32 v0, v17  }
0x4d: {  	[tilespmem:$0x8100] =	vst v17;
	v17 =	vadd.s32 v18, v2;
	v18 =	vld [tilespmem:$0x30]  }
0x4e: {  	[tilespmem:$0x8180] =	vst v17;
	v17 =	vadd.s32 v1, v19  }
0x4f: {  	[tilespmem:$0x8110] =	vst v17;
	v17 =	vadd.s32 v20, v3  }
0x50: {  	v19 =	vld [tilespmem:$0xB0];
	[tilespmem:$0x8190] =	vst v17;
	v17 =	vadd.s32 v4, v21  }
0x51: {  	v63 =	vld [tilespmem:$0x40];
	[tilespmem:$0x8120] =	vst v17;
	v17 =	vadd.s32 v22, v5  }
0x52: {  	[tilespmem:$0x81A0] =	vst v17;
	v17 =	vadd.s32 v6, v18;
	v18 =	vld [tilespmem:$0xC0]  }
0x53: {  	[tilespmem:$0x8210] =	vst v16  }
0x54: {  	[tilespmem:$0x8290] =	vst v16  }
0x55: {  	[tilespmem:$0x8130] =	vst v17;
	v17 =	vadd.s32 v19, v8  }
0x56: {  	[tilespmem:$0x81B0] =	vst v17;
	v17 =	vadd.s32 v7, v63  }
0x57: {  	[tilespmem:$0x8140] =	vst v17;
	v17 =	vadd.s32 v18, v9;
	v18 =	vld [tilespmem:$0x50]  }
0x58: {  	[tilespmem:$0x81C0] =	vst v17;
	v17 =	vld [tilespmem:$0xD0]  }
0x59: {  	[tilespmem:$0x8220] =	vst v16  }
0x5a: {  	[tilespmem:$0x82A0] =	vst v16  }
0x5b: {  	[tilespmem:$0x8230] =	vst v16  }
0x5c: {  	[tilespmem:$0x82B0] =	vst v16;
	v18 =	vadd.s32 v10, v18  }
0x5d: {  	[tilespmem:$0x8150] =	vst v18;
	v17 =	vadd.s32 v17, v11;
	v18 =	vld [tilespmem:$0x60]  }
0x5e: {  	[tilespmem:$0x81D0] =	vst v17;
	v17 =	vld [tilespmem:$0xE0]  }
0x5f: {  	[tilespmem:$0x8240] =	vst v16  }
0x60: {  	[tilespmem:$0x82C0] =	vst v16  }
0x61: {  	[tilespmem:$0x8250] =	vst v16  }
0x62: {  	[tilespmem:$0x82D0] =	vst v16;
	v18 =	vadd.s32 v12, v18  }
0x63: {  	[tilespmem:$0x8160] =	vst v18;
	v17 =	vadd.s32 v17, v14;
	v18 =	vld [tilespmem:$0x70]  }
0x64: {  	[tilespmem:$0x81E0] =	vst v17;
	v17 =	vld [tilespmem:$0xF0]  }
0x65: {  	[tilespmem:$0x8260] =	vst v16  }
0x66: {  	[tilespmem:$0x82E0] =	vst v16  }
0x67: {  	[tilespmem:$0x8270] =	vst v16  }
0x68: {  	[tilespmem:$0x82F0] =	vst v16;
	v18 =	vadd.s32 v13, v18  }
0x69: {  	[tilespmem:$0x8170] =	vst v18;
	v17 =	vadd.s32 v17, v15  }
0x6a: {  	[tilespmem:$0x81F0] =	vst v17  }
0x6b: {  	[hbm4b:s4+s11] =	stream.indirect.scatter [tilespmem:s17], [sflag:$0x2], $0x1, s16, s11, $0xb8;
	[tilespmem:$0x10300] =	vst v63  }
0x6c: {  	s21 =	sadd.s32 $0x1, s21  }
0x6d: {  	[hbm4b:s4+s11] =	stream.indirect.scatter [tilespmem:s19], [sflag:$0x2], $0x1, s18, s11, $0xb8;
	[tilespmem:$0x10300] =	vst v63  }
0x6e: {  	p0 =	sne.s32 s21, s8;
	_ =	swait.ge [sflag:s20], $0x80  }
.Ltmp1:
0x6f: {  	[sflag:s20] =	ssyncset.done $0x0;
	(pc) =	sbr.rel @p0 .LBB2_1-.Ltmp1, $4  }
0x70: {  	[sflag:s20] =	ssyncadd.s32 $0xFFFFFF80  }
0x71: {  	_ =	swait.ge [sflag:s20], $0x80  }
0x72: {  	[sflag:s20] =	ssyncset.done $0x0  }
0x73: {  	[sflag:s20] =	ssyncadd.s32 $0xFFFFFF80  }
0x74: {  	_ =	sfence.sel $0x180000  }
0x75: {  	[bflag:$0x0] =	sbarrier.arrive $0xFFFF  }
0x76: {  	p0 =	sne.s32 s0, $0x0;
	_ =	strace $0x90000047  }
0x77: {  	s0 =	sadd.s32 @!p0 $0x100000, s1;
	[bflag:$0x2] =	sbarrier.arrive $0xFFFF  }
0x78: {  	[sflag:s0] =	ssyncadd.tile.s32 @!p0 $0x1;
	_ =	shalt  }
.Lfunc_end2:
_tile_overlayer_lowered:
.L_overlay_start_2:
0x79: {  	(tag) =	ssettag $0x2  }
0x7a: {  	s0 =	rddreg [dreg:$0x0];
	s2 =	stileid.u32  }
0x7b: {  	s1 =	rddreg [dreg:$0x1];
	p0 =	sne.s32 s2, $0x0  }
0x7c: {  	s3 =	rddreg [dreg:$0x2];
	[bflag:$0x3] =	sbarrier.arrive $0xFFFF;
	s2 =	simm.s32 @!p0 $0x1C03  }
0x7d: {  	[timem:s3], [sflag:s2] =	dma.local @!p0 [hbm:s0], s1  }
0x7e: {  	s0 =	simm.s32 @!p0 $0x3  }
0x7f: {  	_ =	swait.ge @!p0 [sflag:s0], s1  }
0x80: {  	s1 =	ssub.s32 @!p0 $0x0, s1;
	[sflag:s0] =	ssyncset.done @!p0 $0x0  }
0x81: {  	[sflag:s0] =	ssyncadd.s32 @!p0 s1  }
0x82: {  	[bflag:$0x3] =	sbarrier.arrive $0xFFFF  }
0x83: {  	_ =	shalt  }

</sc_bundles>
